<compile_context>
chip_gen: v7x
topology: tpu7x:2x2x1
jax: 0.10.2.dev20260603
libtpu: 0.0.44.dev20260713+nightly
codegen_flags: <defaults>
</compile_context>

<pallas_src>
import jax
import jax.numpy as jnp
from jax import lax
from jax.experimental import pallas as pl
from jax.experimental.pallas import tpu as pltpu
from jax.experimental.pallas import tpu_sc as plsc

N = 10000
E = 160000
D = 256
H = 128
NS = 16
NC = 2

BC_TILES = NC * NS
BC_EPT = E // BC_TILES
BC_C = 40
BC_NCH = BC_EPT // BC_C
BPT = 640
NPAD = BPT * NS


def _bincount_body(src_hbm, out_hbm, idx_v, ones_v, fbuf, counts_sh):
    c = lax.axis_index("c")
    s = lax.axis_index("s")
    wid = c * NS + s
    pltpu.sync_copy(src_hbm.at[wid], idx_v)
    for i in range(3):
        ones_v[pl.ds(i * 16, 16)] = jnp.ones((16,), jnp.float32)

    def zbody(i, _):
        fbuf[pl.ds(i * 16, 16)] = jnp.zeros((16,), jnp.float32)
        return 0

    lax.fori_loop(0, BPT // 16, zbody, 0)
    pltpu.sync_copy(fbuf, counts_sh.at[pl.ds(s * BPT, BPT)])
    plsc.subcore_barrier()

    def sbody(j, _):
        pltpu.sync_copy(ones_v.at[pl.ds(0, BC_C)], counts_sh.at[idx_v.at[j]],
                        add=True)
        return 0

    lax.fori_loop(0, BC_NCH, sbody, 0)
    plsc.subcore_barrier()
    pltpu.sync_copy(counts_sh.at[pl.ds(s * BPT, BPT)], fbuf)
    pltpu.sync_copy(fbuf, out_hbm.at[c, s, 0])


_bincount = pl.kernel(
    _bincount_body,
    out_type=jax.ShapeDtypeStruct((NC, NS, 1, BPT), jnp.float32),
    mesh=plsc.VectorSubcoreMesh(core_axis_name="c", subcore_axis_name="s"),
    scratch_types=[
        pltpu.VMEM((BC_NCH, BC_C), jnp.int32),
        pltpu.VMEM((48,), jnp.float32),
        pltpu.VMEM((BPT,), jnp.float32),
        pltpu.VMEM_SHARED((NPAD,), jnp.float32),
    ],
)

SP_EPT = E // NS
CH = 80
NCHK = SP_EPT // CH
NROWS = NPAD
ZR_PT = NROWS // NS


def _spmm_body(r2_hbm, src_hbm, dst_hbm, out_hbm,
               src_v, dst_v, g0, g1, acc_sh, sem0, sem1, sem2, sem3):
    c = lax.axis_index("c")
    s = lax.axis_index("s")
    pltpu.sync_copy(src_hbm.at[s], src_v)
    pltpu.sync_copy(dst_hbm.at[s], dst_v)

    def zbody(r, _):
        for k in range(H // 16):
            g0[r, pl.ds(k * 16, 16)] = jnp.zeros((16,), jnp.float32)
        return 0

    lax.fori_loop(0, CH, zbody, 0)
    for q in range(ZR_PT // CH):
        pltpu.sync_copy(g0, acc_sh.at[pl.ds(s * ZR_PT + q * CH, CH)])
    plsc.subcore_barrier()

    def fire(j, buf, sem):
        pltpu.async_copy(r2_hbm.at[c].at[src_v.at[pl.ds(j * CH, CH)]], buf, sem)

    def gwait(buf, sem):
        pltpu.make_async_copy(r2_hbm.at[c].at[src_v.at[pl.ds(0, CH)]],
                              buf, sem).wait()

    def scat(j, buf):
        pltpu.sync_copy(buf, acc_sh.at[dst_v.at[j]], add=True)

    def ascat(j, buf, sem):
        pltpu.async_copy(buf, acc_sh.at[dst_v.at[j]], sem, add=True)

    def swait(buf, sem):
        pltpu.make_async_copy(buf, acc_sh.at[dst_v.at[0]], sem).wait()

    fire(0, g0, sem0)
    gwait(g0, sem0)
    fire(1, g1, sem1)
    ascat(0, g0, sem2)
    gwait(g1, sem1)
    ascat(1, g1, sem3)
    swait(g0, sem2)
    fire(2, g0, sem0)

    def mbody(i, _):
        gwait(g0, sem0)
        swait(g1, sem3)
        fire(2 * i + 1, g1, sem1)
        ascat(2 * i, g0, sem2)
        gwait(g1, sem1)
        ascat(2 * i + 1, g1, sem3)
        swait(g0, sem2)
        fire(2 * i + 2, g0, sem0)
        return 0

    lax.fori_loop(1, (NCHK - 1) // 2, mbody, 0)
    gwait(g0, sem0)
    swait(g1, sem3)
    ascat(NCHK - 1, g0, sem2)
    swait(g0, sem2)
    plsc.subcore_barrier()
    pltpu.sync_copy(acc_sh.at[pl.ds(s * ZR_PT, ZR_PT)],
                    out_hbm.at[c, pl.ds(s * ZR_PT, ZR_PT)])


_spmm = pl.kernel(
    _spmm_body,
    out_type=jax.ShapeDtypeStruct((NC, NROWS, H), jnp.float32),
    mesh=plsc.VectorSubcoreMesh(core_axis_name="c", subcore_axis_name="s"),
    scratch_types=[
        pltpu.VMEM((SP_EPT,), jnp.int32),
        pltpu.VMEM((NCHK, CH), jnp.int32),
        pltpu.VMEM((CH, H), jnp.float32),
        pltpu.VMEM((CH, H), jnp.float32),
        pltpu.VMEM_SHARED((NROWS, H), jnp.float32),
        pltpu.SemaphoreType.DMA,
        pltpu.SemaphoreType.DMA,
        pltpu.SemaphoreType.DMA,
        pltpu.SemaphoreType.DMA,
    ],
)

BM = 2000
NB = N // BM


def _mp_body(x_ref, w_ref, b_ref, d0_ref, d1_ref, re_ref,
             r2_ref, p2_ref, nrm_ref):
    hv = jnp.dot(x_ref[...], w_ref[...],
                 preferred_element_type=jnp.float32) + b_ref[...]
    degs = d0_ref[...] + d1_ref[...] + 1.0
    norm = lax.rsqrt(degs)
    r2 = jnp.maximum(hv, 0.0) * norm
    r2_ref[0] = r2[:, :H]
    r2_ref[1] = r2[:, H:]
    p2_ref[...] = jnp.maximum(hv + re_ref[...], 0.0) / degs
    nrm_ref[...] = norm


def _comb_body(a_ref, n_ref, p_ref, o_ref):
    a = a_ref[...]
    n = n_ref[...]
    merged = jnp.concatenate([a[0], a[1]], axis=1)
    o_ref[...] = merged * n + p_ref[...]


@jax.jit
def kernel(x, edge_index, W, b, root_emb):
    src = edge_index[0]
    dst = edge_index[1]

    bc = _bincount(src.reshape(BC_TILES, BC_NCH, BC_C)).reshape(NC, NPAD)
    d0 = bc[0, :N].reshape(N, 1)
    d1 = bc[1, :N].reshape(N, 1)

    r2i, p2, nrm = pl.pallas_call(
        _mp_body,
        grid=(NB,),
        in_specs=[
            pl.BlockSpec((BM, D), lambda i: (i, 0)),
            pl.BlockSpec((D, D), lambda i: (0, 0)),
            pl.BlockSpec((1, D), lambda i: (0, 0)),
            pl.BlockSpec((BM, 1), lambda i: (i, 0)),
            pl.BlockSpec((BM, 1), lambda i: (i, 0)),
            pl.BlockSpec((1, D), lambda i: (0, 0)),
        ],
        out_specs=[
            pl.BlockSpec((NC, BM, H), lambda i: (0, i, 0)),
            pl.BlockSpec((BM, D), lambda i: (i, 0)),
            pl.BlockSpec((BM, 1), lambda i: (i, 0)),
        ],
        out_shape=[
            jax.ShapeDtypeStruct((NC, N, H), jnp.float32),
            jax.ShapeDtypeStruct((N, D), jnp.float32),
            jax.ShapeDtypeStruct((N, 1), jnp.float32),
        ],
    )(x, W, b.reshape(1, D), d0, d1, root_emb)

    acc = _spmm(r2i, src.reshape(NS, SP_EPT), dst.reshape(NS, NCHK, CH))

    out = pl.pallas_call(
        _comb_body,
        grid=(NB,),
        in_specs=[
            pl.BlockSpec((NC, BM, H), lambda i: (0, i, 0)),
            pl.BlockSpec((BM, 1), lambda i: (i, 0)),
            pl.BlockSpec((BM, D), lambda i: (i, 0)),
        ],
        out_specs=pl.BlockSpec((BM, D), lambda i: (i, 0)),
        out_shape=jax.ShapeDtypeStruct((N, D), jnp.float32),
    )(acc, nrm, p2)
    return out

# --- scband reference (transcript-rebuilt; emitter-appended) ---
"""Pipeline reference for scband-tess-21930103014157 (READ-ONLY COPY).

The authoritative reference and input builder live on the scoring server;
editing this copy changes nothing except your own understanding.
"""

import jax, jax.numpy as jnp
import numpy as np

N = 10000
E = 160000
D = 256


def setup_inputs(seed: int = 0) -> dict:
    key = jax.random.key(seed)
    k1, k2, k3, k4 = jax.random.split(key, 4)
    x = jax.random.normal(k1, (N, D), dtype=jnp.float32)
    edge_index = jax.random.randint(k2, (2, E), 0, N, dtype=jnp.int32)
    # Learned parameters sized per init_kwargs (emb_dim=256)
    W = jax.random.normal(k3, (D, D), dtype=jnp.float32) * 0.05  # linear weight
    b = jnp.zeros((D,), dtype=jnp.float32)                        # linear bias
    root_emb = jax.random.normal(k4, (1, D), dtype=jnp.float32) * 0.05  # nn.Embedding(1, emb_dim).weight
    return {"x": x, "edge_index": edge_index, "W": W, "b": b, "root_emb": root_emb}


def reference(x, edge_index, W, b, root_emb):
    # x = self.linear(x)
    h = x @ W + b
    src = edge_index[0]
    dst = edge_index[1]
    # degs = out_degrees + 1 (out-degree = count of node as src)
    degs = jnp.bincount(src, length=N).astype(jnp.float32) + 1.0
    norm = degs ** -0.5
    # apply_edges u_mul_v: norm[src] * norm[dst]
    enorm = norm[src] * norm[dst]
    # m = copy_u(x) -> h[src]; edata m = enorm * relu(m)
    m = enorm[:, None] * jax.nn.relu(h[src])
    # update_all copy_e + sum to dst
    new_x = jax.ops.segment_sum(m, dst, num_segments=N)
    out = new_x + jax.nn.relu(h + root_emb) / degs[:, None]
    return out

if __name__ == "__main__":
    import jax
    _d = setup_inputs()
    print(jax.jit(kernel)(*tuple(_d.values())))

</pallas_src>

<mosaic_0001>
#map = affine_map<(d0, d1) -> (0, 0, 0)>
#map1 = affine_map<(d0, d1) -> (0, 0)>
module attributes {stable_mosaic.version = 14 : i64} {
  func.func @_spmm_body(%arg0: i32, %arg1: i32, %arg2: memref<2x10000x128xf32, #tpu.memory_space<hbm>>, %arg3: memref<16x10000xi32, #tpu.memory_space<hbm>>, %arg4: memref<16x125x80xi32, #tpu.memory_space<hbm>>, %arg5: memref<2x10240x128xf32, #tpu.memory_space<hbm>>, %arg6: memref<10000xi32, #tpu.memory_space<vmem>>, %arg7: memref<125x80xi32, #tpu.memory_space<vmem>>, %arg8: memref<80x128xf32, #tpu.memory_space<vmem>>, %arg9: memref<80x128xf32, #tpu.memory_space<vmem>>, %arg10: memref<10240x128xf32, #tpu.memory_space<vmem_shared>>, %arg11: memref<!tpu.dma_semaphore, #tpu.memory_space<semaphore_mem>>, %arg12: memref<!tpu.dma_semaphore, #tpu.memory_space<semaphore_mem>>, %arg13: memref<!tpu.dma_semaphore, #tpu.memory_space<semaphore_mem>>, %arg14: memref<!tpu.dma_semaphore, #tpu.memory_space<semaphore_mem>>) attributes {dimension_semantics = [#tpu.dimension_semantics<core_parallel>, #tpu.dimension_semantics<subcore_parallel>], iteration_bounds = array<i64: 2, 16>, scalar_prefetch = 0 : i64, scratch_operands = 9 : i64, tpu.core_type = #tpu.core_type<sc_vector_subcore>, window_params = [{transform_indices = #map}, {transform_indices = #map1}, {transform_indices = #map}, {transform_indices = #map}]} {
    "tpu.region"() ({
      %run_scoped3A = tpu.sem_alloc : memref<!tpu.dma_semaphore, #tpu.memory_space<semaphore_mem>>
      %dma_start3A_142 = arith.constant 0 : i32
      %dma_start3A_143 = tpu.memref_slice %arg3[%arg1, %dma_start3A_142] : memref<16x10000xi32, #tpu.memory_space<hbm>> -> memref<1x10000xi32, #tpu.memory_space<hbm>>
      %dma_start3A_144 = tpu.memref_squeeze %dma_start3A_143 : memref<1x10000xi32, #tpu.memory_space<hbm>> -> memref<10000xi32, #tpu.memory_space<hbm>>
      %dma_start3A_145 = arith.constant 0 : i32
      %dma_start3A_146 = tpu.memref_slice %arg3[%arg1, %dma_start3A_145] : memref<16x10000xi32, #tpu.memory_space<hbm>> -> memref<1x10000xi32, #tpu.memory_space<hbm>>
      %dma_start3A_147 = tpu.memref_squeeze %dma_start3A_146 : memref<1x10000xi32, #tpu.memory_space<hbm>> -> memref<10000xi32, #tpu.memory_space<hbm>>
      tpu.enqueue_dma source(%dma_start3A_147 : memref<10000xi32, #tpu.memory_space<hbm>>) target(%arg6 : memref<10000xi32, #tpu.memory_space<vmem>>) target_semaphore(%run_scoped3A : memref<!tpu.dma_semaphore, #tpu.memory_space<semaphore_mem>>)
      %dma_wait3A_148 = arith.constant 0 : i32
      %dma_wait3A_149 = tpu.memref_slice %arg3[%arg1, %dma_wait3A_148] : memref<16x10000xi32, #tpu.memory_space<hbm>> -> memref<1x10000xi32, #tpu.memory_space<hbm>>
      %dma_wait3A_150 = tpu.memref_squeeze %dma_wait3A_149 : memref<1x10000xi32, #tpu.memory_space<hbm>> -> memref<10000xi32, #tpu.memory_space<hbm>>
      %dma_wait3A_151 = arith.constant 0 : i32
      %dma_wait3A_152 = tpu.memref_slice %arg3[%arg1, %dma_wait3A_151] : memref<16x10000xi32, #tpu.memory_space<hbm>> -> memref<1x10000xi32, #tpu.memory_space<hbm>>
      %dma_wait3A_153 = tpu.memref_squeeze %dma_wait3A_152 : memref<1x10000xi32, #tpu.memory_space<hbm>> -> memref<10000xi32, #tpu.memory_space<hbm>>
      tpu.wait_dma2 semaphore(%run_scoped3A : memref<!tpu.dma_semaphore, #tpu.memory_space<semaphore_mem>>) src(%dma_wait3A_153 : memref<10000xi32, #tpu.memory_space<hbm>>) dst(%arg6 : memref<10000xi32, #tpu.memory_space<vmem>>)
      tpu.yield
    }) : () -> ()
    "tpu.region"() ({
      %run_scoped3A = tpu.sem_alloc : memref<!tpu.dma_semaphore, #tpu.memory_space<semaphore_mem>>
      %dma_start3A_142 = arith.constant 0 : i32
      %dma_start3A_143 = arith.constant 0 : i32
      %dma_start3A_144 = tpu.memref_slice %arg4[%arg1, %dma_start3A_142, %dma_start3A_143] : memref<16x125x80xi32, #tpu.memory_space<hbm>> -> memref<1x125x80xi32, #tpu.memory_space<hbm>>
      %dma_start3A_145 = tpu.memref_squeeze %dma_start3A_144 : memref<1x125x80xi32, #tpu.memory_space<hbm>> -> memref<125x80xi32, #tpu.memory_space<hbm>>
      %dma_start3A_146 = arith.constant 0 : i32
      %dma_start3A_147 = arith.constant 0 : i32
      %dma_start3A_148 = tpu.memref_slice %arg4[%arg1, %dma_start3A_146, %dma_start3A_147] : memref<16x125x80xi32, #tpu.memory_space<hbm>> -> memref<1x125x80xi32, #tpu.memory_space<hbm>>
      %dma_start3A_149 = tpu.memref_squeeze %dma_start3A_148 : memref<1x125x80xi32, #tpu.memory_space<hbm>> -> memref<125x80xi32, #tpu.memory_space<hbm>>
      tpu.enqueue_dma source(%dma_start3A_149 : memref<125x80xi32, #tpu.memory_space<hbm>>) target(%arg7 : memref<125x80xi32, #tpu.memory_space<vmem>>) target_semaphore(%run_scoped3A : memref<!tpu.dma_semaphore, #tpu.memory_space<semaphore_mem>>)
      %dma_wait3A_150 = arith.constant 0 : i32
      %dma_wait3A_151 = arith.constant 0 : i32
      %dma_wait3A_152 = tpu.memref_slice %arg4[%arg1, %dma_wait3A_150, %dma_wait3A_151] : memref<16x125x80xi32, #tpu.memory_space<hbm>> -> memref<1x125x80xi32, #tpu.memory_space<hbm>>
      %dma_wait3A_153 = tpu.memref_squeeze %dma_wait3A_152 : memref<1x125x80xi32, #tpu.memory_space<hbm>> -> memref<125x80xi32, #tpu.memory_space<hbm>>
      %dma_wait3A_154 = arith.constant 0 : i32
      %dma_wait3A_155 = arith.constant 0 : i32
      %dma_wait3A_156 = tpu.memref_slice %arg4[%arg1, %dma_wait3A_154, %dma_wait3A_155] : memref<16x125x80xi32, #tpu.memory_space<hbm>> -> memref<1x125x80xi32, #tpu.memory_space<hbm>>
      %dma_wait3A_157 = tpu.memref_squeeze %dma_wait3A_156 : memref<1x125x80xi32, #tpu.memory_space<hbm>> -> memref<125x80xi32, #tpu.memory_space<hbm>>
      tpu.wait_dma2 semaphore(%run_scoped3A : memref<!tpu.dma_semaphore, #tpu.memory_space<semaphore_mem>>) src(%dma_wait3A_157 : memref<125x80xi32, #tpu.memory_space<hbm>>) dst(%arg7 : memref<125x80xi32, #tpu.memory_space<vmem>>)
      tpu.yield
    }) : () -> ()
    %scan3A = arith.constant 0 : i32
    %scan3A_0 = arith.constant 0 : i32
    %scan3A_1 = arith.constant 80 : i32
    %scan3A_2 = arith.addi %scan3A_0, %scan3A_1 : i32
    %scan3A_3 = arith.constant 1 : i32
    %scan3A_4 = scf.for %scan3A_142 = %scan3A_0 to %scan3A_2 step %scan3A_3 iter_args(%scan3A_143 = %scan3A) -> (i32)  : i32 {
      %broadcast_in_dim3A = arith.constant 0.000000e+00 : f32
      %broadcast_in_dim3A_144 = vector.broadcast %broadcast_in_dim3A : f32 to vector<16xf32>
      %swap3A = arith.index_cast %scan3A_142 : i32 to index
      %swap3A_145 = arith.constant 0 : index
      %swap3A_146 = tpu.vector_load %arg8[%swap3A, %swap3A_145] {strides = array<i32>} : memref<80x128xf32, #tpu.memory_space<vmem>>, vector<1x16xf32>,
      %swap3A_147 = vector.shape_cast %swap3A_146 : vector<1x16xf32> to vector<16xf32>
      %swap3A_148 = vector.shape_cast %broadcast_in_dim3A_144 : vector<16xf32> to vector<1x16xf32>
      tpu.vector_store %arg8[%swap3A, %swap3A_145], %swap3A_148 {strides = array<i32>} : memref<80x128xf32, #tpu.memory_space<vmem>>, vector<1x16xf32>,
      %broadcast_in_dim3A_149 = arith.constant 0.000000e+00 : f32
      %broadcast_in_dim3A_150 = vector.broadcast %broadcast_in_dim3A_149 : f32 to vector<16xf32>
      %swap3A_151 = arith.index_cast %scan3A_142 : i32 to index
      %swap3A_152 = arith.constant 16 : index
      %swap3A_153 = tpu.vector_load %arg8[%swap3A_151, %swap3A_152] {strides = array<i32>} : memref<80x128xf32, #tpu.memory_space<vmem>>, vector<1x16xf32>,
      %swap3A_154 = vector.shape_cast %swap3A_153 : vector<1x16xf32> to vector<16xf32>
      %swap3A_155 = vector.shape_cast %broadcast_in_dim3A_150 : vector<16xf32> to vector<1x16xf32>
      tpu.vector_store %arg8[%swap3A_151, %swap3A_152], %swap3A_155 {strides = array<i32>} : memref<80x128xf32, #tpu.memory_space<vmem>>, vector<1x16xf32>,
      %broadcast_in_dim3A_156 = arith.constant 0.000000e+00 : f32
      %broadcast_in_dim3A_157 = vector.broadcast %broadcast_in_dim3A_156 : f32 to vector<16xf32>
      %swap3A_158 = arith.index_cast %scan3A_142 : i32 to index
      %swap3A_159 = arith.constant 32 : index
      %swap3A_160 = tpu.vector_load %arg8[%swap3A_158, %swap3A_159] {strides = array<i32>} : memref<80x128xf32, #tpu.memory_space<vmem>>, vector<1x16xf32>,
      %swap3A_161 = vector.shape_cast %swap3A_160 : vector<1x16xf32> to vector<16xf32>
      %swap3A_162 = vector.shape_cast %broadcast_in_dim3A_157 : vector<16xf32> to vector<1x16xf32>
      tpu.vector_store %arg8[%swap3A_158, %swap3A_159], %swap3A_162 {strides = array<i32>} : memref<80x128xf32, #tpu.memory_space<vmem>>, vector<1x16xf32>,
      %broadcast_in_dim3A_163 = arith.constant 0.000000e+00 : f32
      %broadcast_in_dim3A_164 = vector.broadcast %broadcast_in_dim3A_163 : f32 to vector<16xf32>
      %swap3A_165 = arith.index_cast %scan3A_142 : i32 to index
      %swap3A_166 = arith.constant 48 : index
      %swap3A_167 = tpu.vector_load %arg8[%swap3A_165, %swap3A_166] {strides = array<i32>} : memref<80x128xf32, #tpu.memory_space<vmem>>, vector<1x16xf32>,
      %swap3A_168 = vector.shape_cast %swap3A_167 : vector<1x16xf32> to vector<16xf32>
      %swap3A_169 = vector.shape_cast %broadcast_in_dim3A_164 : vector<16xf32> to vector<1x16xf32>
      tpu.vector_store %arg8[%swap3A_165, %swap3A_166], %swap3A_169 {strides = array<i32>} : memref<80x128xf32, #tpu.memory_space<vmem>>, vector<1x16xf32>,
      %broadcast_in_dim3A_170 = arith.constant 0.000000e+00 : f32
      %broadcast_in_dim3A_171 = vector.broadcast %broadcast_in_dim3A_170 : f32 to vector<16xf32>
      %swap3A_172 = arith.index_cast %scan3A_142 : i32 to index
      %swap3A_173 = arith.constant 64 : index
      %swap3A_174 = tpu.vector_load %arg8[%swap3A_172, %swap3A_173] {strides = array<i32>} : memref<80x128xf32, #tpu.memory_space<vmem>>, vector<1x16xf32>,
      %swap3A_175 = vector.shape_cast %swap3A_174 : vector<1x16xf32> to vector<16xf32>
      %swap3A_176 = vector.shape_cast %broadcast_in_dim3A_171 : vector<16xf32> to vector<1x16xf32>
      tpu.vector_store %arg8[%swap3A_172, %swap3A_173], %swap3A_176 {strides = array<i32>} : memref<80x128xf32, #tpu.memory_space<vmem>>, vector<1x16xf32>,
      %broadcast_in_dim3A_177 = arith.constant 0.000000e+00 : f32
      %broadcast_in_dim3A_178 = vector.broadcast %broadcast_in_dim3A_177 : f32 to vector<16xf32>
      %swap3A_179 = arith.index_cast %scan3A_142 : i32 to index
      %swap3A_180 = arith.constant 80 : index
      %swap3A_181 = tpu.vector_load %arg8[%swap3A_179, %swap3A_180] {strides = array<i32>} : memref<80x128xf32, #tpu.memory_space<vmem>>, vector<1x16xf32>,
      %swap3A_182 = vector.shape_cast %swap3A_181 : vector<1x16xf32> to vector<16xf32>
      %swap3A_183 = vector.shape_cast %broadcast_in_dim3A_178 : vector<16xf32> to vector<1x16xf32>
      tpu.vector_store %arg8[%swap3A_179, %swap3A_180], %swap3A_183 {strides = array<i32>} : memref<80x128xf32, #tpu.memory_space<vmem>>, vector<1x16xf32>,
      %broadcast_in_dim3A_184 = arith.constant 0.000000e+00 : f32
      %broadcast_in_dim3A_185 = vector.broadcast %broadcast_in_dim3A_184 : f32 to vector<16xf32>
      %swap3A_186 = arith.index_cast %scan3A_142 : i32 to index
      %swap3A_187 = arith.constant 96 : index
      %swap3A_188 = tpu.vector_load %arg8[%swap3A_186, %swap3A_187] {strides = array<i32>} : memref<80x128xf32, #tpu.memory_space<vmem>>, vector<1x16xf32>,
      %swap3A_189 = vector.shape_cast %swap3A_188 : vector<1x16xf32> to vector<16xf32>
      %swap3A_190 = vector.shape_cast %broadcast_in_dim3A_185 : vector<16xf32> to vector<1x16xf32>
      tpu.vector_store %arg8[%swap3A_186, %swap3A_187], %swap3A_190 {strides = array<i32>} : memref<80x128xf32, #tpu.memory_space<vmem>>, vector<1x16xf32>,
      %broadcast_in_dim3A_191 = arith.constant 0.000000e+00 : f32
      %broadcast_in_dim3A_192 = vector.broadcast %broadcast_in_dim3A_191 : f32 to vector<16xf32>
      %swap3A_193 = arith.index_cast %scan3A_142 : i32 to index
      %swap3A_194 = arith.constant 112 : index
      %swap3A_195 = tpu.vector_load %arg8[%swap3A_193, %swap3A_194] {strides = array<i32>} : memref<80x128xf32, #tpu.memory_space<vmem>>, vector<1x16xf32>,
      %swap3A_196 = vector.shape_cast %swap3A_195 : vector<1x16xf32> to vector<16xf32>
      %swap3A_197 = vector.shape_cast %broadcast_in_dim3A_192 : vector<16xf32> to vector<1x16xf32>
      tpu.vector_store %arg8[%swap3A_193, %swap3A_194], %swap3A_197 {strides = array<i32>} : memref<80x128xf32, #tpu.memory_space<vmem>>, vector<1x16xf32>,
      %scan3A_198 = arith.constant 0 : i32
      scf.yield %scan3A_198 : i32
    }
    %scan3A_5 = arith.constant 80 : i32
    %mul3A = arith.constant 640 : i32
    %mul3A_6 = arith.muli %arg1, %mul3A : i32
    %add3A = arith.constant 0 : i32
    %add3A_7 = arith.addi %mul3A_6, %add3A : i32
    "tpu.region"() ({
      %run_scoped3A = tpu.sem_alloc : memref<!tpu.dma_semaphore, #tpu.memory_space<semaphore_mem>>
      %dma_start3A_142 = arith.constant 0 : i32
      %dma_start3A_143 = tpu.memref_slice %arg10[%add3A_7, %dma_start3A_142] : memref<10240x128xf32, #tpu.memory_space<vmem_shared>> -> memref<80x128xf32, #tpu.memory_space<vmem_shared>>
      %dma_start3A_144 = arith.constant 0 : i32
      %dma_start3A_145 = tpu.memref_slice %arg10[%add3A_7, %dma_start3A_144] : memref<10240x128xf32, #tpu.memory_space<vmem_shared>> -> memref<80x128xf32, #tpu.memory_space<vmem_shared>>
      tpu.enqueue_dma source(%arg8 : memref<80x128xf32, #tpu.memory_space<vmem>>) target(%dma_start3A_145 : memref<80x128xf32, #tpu.memory_space<vmem_shared>>) target_semaphore(%run_scoped3A : memref<!tpu.dma_semaphore, #tpu.memory_space<semaphore_mem>>)
      %dma_wait3A_146 = arith.constant 0 : i32
      %dma_wait3A_147 = tpu.memref_slice %arg10[%add3A_7, %dma_wait3A_146] : memref<10240x128xf32, #tpu.memory_space<vmem_shared>> -> memref<80x128xf32, #tpu.memory_space<vmem_shared>>
      %dma_wait3A_148 = arith.constant 0 : i32
      %dma_wait3A_149 = tpu.memref_slice %arg10[%add3A_7, %dma_wait3A_148] : memref<10240x128xf32, #tpu.memory_space<vmem_shared>> -> memref<80x128xf32, #tpu.memory_space<vmem_shared>>
      tpu.wait_dma2 semaphore(%run_scoped3A : memref<!tpu.dma_semaphore, #tpu.memory_space<semaphore_mem>>) src(%arg8 : memref<80x128xf32, #tpu.memory_space<vmem>>) dst(%dma_wait3A_149 : memref<80x128xf32, #tpu.memory_space<vmem_shared>>)
      tpu.yield
    }) : () -> ()
    %mul3A_8 = arith.constant 640 : i32
    %mul3A_9 = arith.muli %arg1, %mul3A_8 : i32
    %add3A_10 = arith.constant 80 : i32
    %add3A_11 = arith.addi %mul3A_9, %add3A_10 : i32
    "tpu.region"() ({
      %run_scoped3A = tpu.sem_alloc : memref<!tpu.dma_semaphore, #tpu.memory_space<semaphore_mem>>
      %dma_start3A_142 = arith.constant 0 : i32
      %dma_start3A_143 = tpu.memref_slice %arg10[%add3A_11, %dma_start3A_142] : memref<10240x128xf32, #tpu.memory_space<vmem_shared>> -> memref<80x128xf32, #tpu.memory_space<vmem_shared>>
      %dma_start3A_144 = arith.constant 0 : i32
      %dma_start3A_145 = tpu.memref_slice %arg10[%add3A_11, %dma_start3A_144] : memref<10240x128xf32, #tpu.memory_space<vmem_shared>> -> memref<80x128xf32, #tpu.memory_space<vmem_shared>>
      tpu.enqueue_dma source(%arg8 : memref<80x128xf32, #tpu.memory_space<vmem>>) target(%dma_start3A_145 : memref<80x128xf32, #tpu.memory_space<vmem_shared>>) target_semaphore(%run_scoped3A : memref<!tpu.dma_semaphore, #tpu.memory_space<semaphore_mem>>)
      %dma_wait3A_146 = arith.constant 0 : i32
      %dma_wait3A_147 = tpu.memref_slice %arg10[%add3A_11, %dma_wait3A_146] : memref<10240x128xf32, #tpu.memory_space<vmem_shared>> -> memref<80x128xf32, #tpu.memory_space<vmem_shared>>
      %dma_wait3A_148 = arith.constant 0 : i32
      %dma_wait3A_149 = tpu.memref_slice %arg10[%add3A_11, %dma_wait3A_148] : memref<10240x128xf32, #tpu.memory_space<vmem_shared>> -> memref<80x128xf32, #tpu.memory_space<vmem_shared>>
      tpu.wait_dma2 semaphore(%run_scoped3A : memref<!tpu.dma_semaphore, #tpu.memory_space<semaphore_mem>>) src(%arg8 : memref<80x128xf32, #tpu.memory_space<vmem>>) dst(%dma_wait3A_149 : memref<80x128xf32, #tpu.memory_space<vmem_shared>>)
      tpu.yield
    }) : () -> ()
    %mul3A_12 = arith.constant 640 : i32
    %mul3A_13 = arith.muli %arg1, %mul3A_12 : i32
    %add3A_14 = arith.constant 160 : i32
    %add3A_15 = arith.addi %mul3A_13, %add3A_14 : i32
    "tpu.region"() ({
      %run_scoped3A = tpu.sem_alloc : memref<!tpu.dma_semaphore, #tpu.memory_space<semaphore_mem>>
      %dma_start3A_142 = arith.constant 0 : i32
      %dma_start3A_143 = tpu.memref_slice %arg10[%add3A_15, %dma_start3A_142] : memref<10240x128xf32, #tpu.memory_space<vmem_shared>> -> memref<80x128xf32, #tpu.memory_space<vmem_shared>>
      %dma_start3A_144 = arith.constant 0 : i32
      %dma_start3A_145 = tpu.memref_slice %arg10[%add3A_15, %dma_start3A_144] : memref<10240x128xf32, #tpu.memory_space<vmem_shared>> -> memref<80x128xf32, #tpu.memory_space<vmem_shared>>
      tpu.enqueue_dma source(%arg8 : memref<80x128xf32, #tpu.memory_space<vmem>>) target(%dma_start3A_145 : memref<80x128xf32, #tpu.memory_space<vmem_shared>>) target_semaphore(%run_scoped3A : memref<!tpu.dma_semaphore, #tpu.memory_space<semaphore_mem>>)
      %dma_wait3A_146 = arith.constant 0 : i32
      %dma_wait3A_147 = tpu.memref_slice %arg10[%add3A_15, %dma_wait3A_146] : memref<10240x128xf32, #tpu.memory_space<vmem_shared>> -> memref<80x128xf32, #tpu.memory_space<vmem_shared>>
      %dma_wait3A_148 = arith.constant 0 : i32
      %dma_wait3A_149 = tpu.memref_slice %arg10[%add3A_15, %dma_wait3A_148] : memref<10240x128xf32, #tpu.memory_space<vmem_shared>> -> memref<80x128xf32, #tpu.memory_space<vmem_shared>>
      tpu.wait_dma2 semaphore(%run_scoped3A : memref<!tpu.dma_semaphore, #tpu.memory_space<semaphore_mem>>) src(%arg8 : memref<80x128xf32, #tpu.memory_space<vmem>>) dst(%dma_wait3A_149 : memref<80x128xf32, #tpu.memory_space<vmem_shared>>)
      tpu.yield
    }) : () -> ()
    %mul3A_16 = arith.constant 640 : i32
    %mul3A_17 = arith.muli %arg1, %mul3A_16 : i32
    %add3A_18 = arith.constant 240 : i32
    %add3A_19 = arith.addi %mul3A_17, %add3A_18 : i32
    "tpu.region"() ({
      %run_scoped3A = tpu.sem_alloc : memref<!tpu.dma_semaphore, #tpu.memory_space<semaphore_mem>>
      %dma_start3A_142 = arith.constant 0 : i32
      %dma_start3A_143 = tpu.memref_slice %arg10[%add3A_19, %dma_start3A_142] : memref<10240x128xf32, #tpu.memory_space<vmem_shared>> -> memref<80x128xf32, #tpu.memory_space<vmem_shared>>
      %dma_start3A_144 = arith.constant 0 : i32
      %dma_start3A_145 = tpu.memref_slice %arg10[%add3A_19, %dma_start3A_144] : memref<10240x128xf32, #tpu.memory_space<vmem_shared>> -> memref<80x128xf32, #tpu.memory_space<vmem_shared>>
      tpu.enqueue_dma source(%arg8 : memref<80x128xf32, #tpu.memory_space<vmem>>) target(%dma_start3A_145 : memref<80x128xf32, #tpu.memory_space<vmem_shared>>) target_semaphore(%run_scoped3A : memref<!tpu.dma_semaphore, #tpu.memory_space<semaphore_mem>>)
      %dma_wait3A_146 = arith.constant 0 : i32
      %dma_wait3A_147 = tpu.memref_slice %arg10[%add3A_19, %dma_wait3A_146] : memref<10240x128xf32, #tpu.memory_space<vmem_shared>> -> memref<80x128xf32, #tpu.memory_space<vmem_shared>>
      %dma_wait3A_148 = arith.constant 0 : i32
      %dma_wait3A_149 = tpu.memref_slice %arg10[%add3A_19, %dma_wait3A_148] : memref<10240x128xf32, #tpu.memory_space<vmem_shared>> -> memref<80x128xf32, #tpu.memory_space<vmem_shared>>
      tpu.wait_dma2 semaphore(%run_scoped3A : memref<!tpu.dma_semaphore, #tpu.memory_space<semaphore_mem>>) src(%arg8 : memref<80x128xf32, #tpu.memory_space<vmem>>) dst(%dma_wait3A_149 : memref<80x128xf32, #tpu.memory_space<vmem_shared>>)
      tpu.yield
    }) : () -> ()
    %mul3A_20 = arith.constant 640 : i32
    %mul3A_21 = arith.muli %arg1, %mul3A_20 : i32
    %add3A_22 = arith.constant 320 : i32
    %add3A_23 = arith.addi %mul3A_21, %add3A_22 : i32
    "tpu.region"() ({
      %run_scoped3A = tpu.sem_alloc : memref<!tpu.dma_semaphore, #tpu.memory_space<semaphore_mem>>
      %dma_start3A_142 = arith.constant 0 : i32
      %dma_start3A_143 = tpu.memref_slice %arg10[%add3A_23, %dma_start3A_142] : memref<10240x128xf32, #tpu.memory_space<vmem_shared>> -> memref<80x128xf32, #tpu.memory_space<vmem_shared>>
      %dma_start3A_144 = arith.constant 0 : i32
      %dma_start3A_145 = tpu.memref_slice %arg10[%add3A_23, %dma_start3A_144] : memref<10240x128xf32, #tpu.memory_space<vmem_shared>> -> memref<80x128xf32, #tpu.memory_space<vmem_shared>>
      tpu.enqueue_dma source(%arg8 : memref<80x128xf32, #tpu.memory_space<vmem>>) target(%dma_start3A_145 : memref<80x128xf32, #tpu.memory_space<vmem_shared>>) target_semaphore(%run_scoped3A : memref<!tpu.dma_semaphore, #tpu.memory_space<semaphore_mem>>)
      %dma_wait3A_146 = arith.constant 0 : i32
      %dma_wait3A_147 = tpu.memref_slice %arg10[%add3A_23, %dma_wait3A_146] : memref<10240x128xf32, #tpu.memory_space<vmem_shared>> -> memref<80x128xf32, #tpu.memory_space<vmem_shared>>
      %dma_wait3A_148 = arith.constant 0 : i32
      %dma_wait3A_149 = tpu.memref_slice %arg10[%add3A_23, %dma_wait3A_148] : memref<10240x128xf32, #tpu.memory_space<vmem_shared>> -> memref<80x128xf32, #tpu.memory_space<vmem_shared>>
      tpu.wait_dma2 semaphore(%run_scoped3A : memref<!tpu.dma_semaphore, #tpu.memory_space<semaphore_mem>>) src(%arg8 : memref<80x128xf32, #tpu.memory_space<vmem>>) dst(%dma_wait3A_149 : memref<80x128xf32, #tpu.memory_space<vmem_shared>>)
      tpu.yield
    }) : () -> ()
    %mul3A_24 = arith.constant 640 : i32
    %mul3A_25 = arith.muli %arg1, %mul3A_24 : i32
    %add3A_26 = arith.constant 400 : i32
    %add3A_27 = arith.addi %mul3A_25, %add3A_26 : i32
    "tpu.region"() ({
      %run_scoped3A = tpu.sem_alloc : memref<!tpu.dma_semaphore, #tpu.memory_space<semaphore_mem>>
      %dma_start3A_142 = arith.constant 0 : i32
      %dma_start3A_143 = tpu.memref_slice %arg10[%add3A_27, %dma_start3A_142] : memref<10240x128xf32, #tpu.memory_space<vmem_shared>> -> memref<80x128xf32, #tpu.memory_space<vmem_shared>>
      %dma_start3A_144 = arith.constant 0 : i32
      %dma_start3A_145 = tpu.memref_slice %arg10[%add3A_27, %dma_start3A_144] : memref<10240x128xf32, #tpu.memory_space<vmem_shared>> -> memref<80x128xf32, #tpu.memory_space<vmem_shared>>
      tpu.enqueue_dma source(%arg8 : memref<80x128xf32, #tpu.memory_space<vmem>>) target(%dma_start3A_145 : memref<80x128xf32, #tpu.memory_space<vmem_shared>>) target_semaphore(%run_scoped3A : memref<!tpu.dma_semaphore, #tpu.memory_space<semaphore_mem>>)
      %dma_wait3A_146 = arith.constant 0 : i32
      %dma_wait3A_147 = tpu.memref_slice %arg10[%add3A_27, %dma_wait3A_146] : memref<10240x128xf32, #tpu.memory_space<vmem_shared>> -> memref<80x128xf32, #tpu.memory_space<vmem_shared>>
      %dma_wait3A_148 = arith.constant 0 : i32
      %dma_wait3A_149 = tpu.memref_slice %arg10[%add3A_27, %dma_wait3A_148] : memref<10240x128xf32, #tpu.memory_space<vmem_shared>> -> memref<80x128xf32, #tpu.memory_space<vmem_shared>>
      tpu.wait_dma2 semaphore(%run_scoped3A : memref<!tpu.dma_semaphore, #tpu.memory_space<semaphore_mem>>) src(%arg8 : memref<80x128xf32, #tpu.memory_space<vmem>>) dst(%dma_wait3A_149 : memref<80x128xf32, #tpu.memory_space<vmem_shared>>)
      tpu.yield
    }) : () -> ()
    %mul3A_28 = arith.constant 640 : i32
    %mul3A_29 = arith.muli %arg1, %mul3A_28 : i32
    %add3A_30 = arith.constant 480 : i32
    %add3A_31 = arith.addi %mul3A_29, %add3A_30 : i32
    "tpu.region"() ({
      %run_scoped3A = tpu.sem_alloc : memref<!tpu.dma_semaphore, #tpu.memory_space<semaphore_mem>>
      %dma_start3A_142 = arith.constant 0 : i32
      %dma_start3A_143 = tpu.memref_slice %arg10[%add3A_31, %dma_start3A_142] : memref<10240x128xf32, #tpu.memory_space<vmem_shared>> -> memref<80x128xf32, #tpu.memory_space<vmem_shared>>
      %dma_start3A_144 = arith.constant 0 : i32
      %dma_start3A_145 = tpu.memref_slice %arg10[%add3A_31, %dma_start3A_144] : memref<10240x128xf32, #tpu.memory_space<vmem_shared>> -> memref<80x128xf32, #tpu.memory_space<vmem_shared>>
      tpu.enqueue_dma source(%arg8 : memref<80x128xf32, #tpu.memory_space<vmem>>) target(%dma_start3A_145 : memref<80x128xf32, #tpu.memory_space<vmem_shared>>) target_semaphore(%run_scoped3A : memref<!tpu.dma_semaphore, #tpu.memory_space<semaphore_mem>>)
      %dma_wait3A_146 = arith.constant 0 : i32
      %dma_wait3A_147 = tpu.memref_slice %arg10[%add3A_31, %dma_wait3A_146] : memref<10240x128xf32, #tpu.memory_space<vmem_shared>> -> memref<80x128xf32, #tpu.memory_space<vmem_shared>>
      %dma_wait3A_148 = arith.constant 0 : i32
      %dma_wait3A_149 = tpu.memref_slice %arg10[%add3A_31, %dma_wait3A_148] : memref<10240x128xf32, #tpu.memory_space<vmem_shared>> -> memref<80x128xf32, #tpu.memory_space<vmem_shared>>
      tpu.wait_dma2 semaphore(%run_scoped3A : memref<!tpu.dma_semaphore, #tpu.memory_space<semaphore_mem>>) src(%arg8 : memref<80x128xf32, #tpu.memory_space<vmem>>) dst(%dma_wait3A_149 : memref<80x128xf32, #tpu.memory_space<vmem_shared>>)
      tpu.yield
    }) : () -> ()
    %mul3A_32 = arith.constant 640 : i32
    %mul3A_33 = arith.muli %arg1, %mul3A_32 : i32
    %add3A_34 = arith.constant 560 : i32
    %add3A_35 = arith.addi %mul3A_33, %add3A_34 : i32
    "tpu.region"() ({
      %run_scoped3A = tpu.sem_alloc : memref<!tpu.dma_semaphore, #tpu.memory_space<semaphore_mem>>
      %dma_start3A_142 = arith.constant 0 : i32
      %dma_start3A_143 = tpu.memref_slice %arg10[%add3A_35, %dma_start3A_142] : memref<10240x128xf32, #tpu.memory_space<vmem_shared>> -> memref<80x128xf32, #tpu.memory_space<vmem_shared>>
      %dma_start3A_144 = arith.constant 0 : i32
      %dma_start3A_145 = tpu.memref_slice %arg10[%add3A_35, %dma_start3A_144] : memref<10240x128xf32, #tpu.memory_space<vmem_shared>> -> memref<80x128xf32, #tpu.memory_space<vmem_shared>>
      tpu.enqueue_dma source(%arg8 : memref<80x128xf32, #tpu.memory_space<vmem>>) target(%dma_start3A_145 : memref<80x128xf32, #tpu.memory_space<vmem_shared>>) target_semaphore(%run_scoped3A : memref<!tpu.dma_semaphore, #tpu.memory_space<semaphore_mem>>)
      %dma_wait3A_146 = arith.constant 0 : i32
      %dma_wait3A_147 = tpu.memref_slice %arg10[%add3A_35, %dma_wait3A_146] : memref<10240x128xf32, #tpu.memory_space<vmem_shared>> -> memref<80x128xf32, #tpu.memory_space<vmem_shared>>
      %dma_wait3A_148 = arith.constant 0 : i32
      %dma_wait3A_149 = tpu.memref_slice %arg10[%add3A_35, %dma_wait3A_148] : memref<10240x128xf32, #tpu.memory_space<vmem_shared>> -> memref<80x128xf32, #tpu.memory_space<vmem_shared>>
      tpu.wait_dma2 semaphore(%run_scoped3A : memref<!tpu.dma_semaphore, #tpu.memory_space<semaphore_mem>>) src(%arg8 : memref<80x128xf32, #tpu.memory_space<vmem>>) dst(%dma_wait3A_149 : memref<80x128xf32, #tpu.memory_space<vmem_shared>>)
      tpu.yield
    }) : () -> ()
    %barrier3A = arith.constant 0 : index
    tpu.barrier barrier_id(%barrier3A)
    %dma_start3A = arith.constant 0 : i32
    %dma_start3A_36 = tpu.memref_slice %arg6[%dma_start3A] : memref<10000xi32, #tpu.memory_space<vmem>> -> memref<80xi32, #tpu.memory_space<vmem>>
    %dma_start3A_37 = arith.constant 0 : i32
    %dma_start3A_38 = arith.constant 0 : i32
    %dma_start3A_39 = tpu.memref_slice %arg2[%arg0, %dma_start3A_37, %dma_start3A_38] : memref<2x10000x128xf32, #tpu.memory_space<hbm>> -> memref<1x10000x128xf32, #tpu.memory_space<hbm>>
    %dma_start3A_40 = tpu.memref_squeeze %dma_start3A_39 : memref<1x10000x128xf32, #tpu.memory_space<hbm>> -> memref<10000x128xf32, #tpu.memory_space<hbm>>
    %dma_start3A_41 = arith.constant 0 : i32
    %dma_start3A_42 = arith.constant 0 : i32
    %dma_start3A_43 = tpu.memref_slice %dma_start3A_40[%dma_start3A_41, %dma_start3A_42] : memref<10000x128xf32, #tpu.memory_space<hbm>> -> memref<10000x128xf32, #tpu.memory_space<hbm>>
    tpu.enqueue_indirect_dma source(%dma_start3A_43 : memref<10000x128xf32, #tpu.memory_space<hbm>>) target(%arg8 : memref<80x128xf32, #tpu.memory_space<vmem>>) offsets(%dma_start3A_36 : memref<80xi32, #tpu.memory_space<vmem>>) semaphore(%arg11 : memref<!tpu.dma_semaphore, #tpu.memory_space<semaphore_mem>>)
    %dma_wait3A = arith.constant 0 : i32
    %dma_wait3A_44 = tpu.memref_slice %arg6[%dma_wait3A] : memref<10000xi32, #tpu.memory_space<vmem>> -> memref<80xi32, #tpu.memory_space<vmem>>
    %dma_wait3A_45 = arith.constant 0 : i32
    %dma_wait3A_46 = arith.constant 0 : i32
    %dma_wait3A_47 = tpu.memref_slice %arg2[%arg0, %dma_wait3A_45, %dma_wait3A_46] : memref<2x10000x128xf32, #tpu.memory_space<hbm>> -> memref<1x10000x128xf32, #tpu.memory_space<hbm>>
    %dma_wait3A_48 = tpu.memref_squeeze %dma_wait3A_47 : memref<1x10000x128xf32, #tpu.memory_space<hbm>> -> memref<10000x128xf32, #tpu.memory_space<hbm>>
    %dma_wait3A_49 = arith.constant 0 : i32
    %dma_wait3A_50 = arith.constant 0 : i32
    %dma_wait3A_51 = tpu.memref_slice %dma_wait3A_48[%dma_wait3A_49, %dma_wait3A_50] : memref<10000x128xf32, #tpu.memory_space<hbm>> -> memref<10000x128xf32, #tpu.memory_space<hbm>>
    tpu.wait_indirect_dma semaphore(%arg11 : memref<!tpu.dma_semaphore, #tpu.memory_space<semaphore_mem>>) src(%dma_wait3A_51 : memref<10000x128xf32, #tpu.memory_space<hbm>>) dst(%arg8 : memref<80x128xf32, #tpu.memory_space<vmem>>)
    %dma_start3A_52 = arith.constant 80 : i32
    %dma_start3A_53 = tpu.memref_slice %arg6[%dma_start3A_52] : memref<10000xi32, #tpu.memory_space<vmem>> -> memref<80xi32, #tpu.memory_space<vmem>>
    %dma_start3A_54 = arith.constant 0 : i32
    %dma_start3A_55 = arith.constant 0 : i32
    %dma_start3A_56 = tpu.memref_slice %arg2[%arg0, %dma_start3A_54, %dma_start3A_55] : memref<2x10000x128xf32, #tpu.memory_space<hbm>> -> memref<1x10000x128xf32, #tpu.memory_space<hbm>>
    %dma_start3A_57 = tpu.memref_squeeze %dma_start3A_56 : memref<1x10000x128xf32, #tpu.memory_space<hbm>> -> memref<10000x128xf32, #tpu.memory_space<hbm>>
    %dma_start3A_58 = arith.constant 0 : i32
    %dma_start3A_59 = arith.constant 0 : i32
    %dma_start3A_60 = tpu.memref_slice %dma_start3A_57[%dma_start3A_58, %dma_start3A_59] : memref<10000x128xf32, #tpu.memory_space<hbm>> -> memref<10000x128xf32, #tpu.memory_space<hbm>>
    tpu.enqueue_indirect_dma source(%dma_start3A_60 : memref<10000x128xf32, #tpu.memory_space<hbm>>) target(%arg9 : memref<80x128xf32, #tpu.memory_space<vmem>>) offsets(%dma_start3A_53 : memref<80xi32, #tpu.memory_space<vmem>>) semaphore(%arg12 : memref<!tpu.dma_semaphore, #tpu.memory_space<semaphore_mem>>)
    %dma_start3A_61 = arith.constant 0 : i32
    %dma_start3A_62 = arith.constant 0 : i32
    %dma_start3A_63 = tpu.memref_slice %arg7[%dma_start3A_61, %dma_start3A_62] : memref<125x80xi32, #tpu.memory_space<vmem>> -> memref<1x80xi32, #tpu.memory_space<vmem>>
    %dma_start3A_64 = tpu.memref_squeeze %dma_start3A_63 : memref<1x80xi32, #tpu.memory_space<vmem>> -> memref<80xi32, #tpu.memory_space<vmem>>
    %dma_start3A_65 = arith.constant 0 : i32
    %dma_start3A_66 = arith.constant 0 : i32
    %dma_start3A_67 = tpu.memref_slice %arg10[%dma_start3A_65, %dma_start3A_66] : memref<10240x128xf32, #tpu.memory_space<vmem_shared>> -> memref<10240x128xf32, #tpu.memory_space<vmem_shared>>
    tpu.enqueue_indirect_dma source(%arg8 : memref<80x128xf32, #tpu.memory_space<vmem>>) target(%dma_start3A_67 : memref<10240x128xf32, #tpu.memory_space<vmem_shared>>) offsets(%dma_start3A_64 : memref<80xi32, #tpu.memory_space<vmem>>) semaphore(%arg13 : memref<!tpu.dma_semaphore, #tpu.memory_space<semaphore_mem>>) {add = true}
    %dma_wait3A_68 = arith.constant 0 : i32
    %dma_wait3A_69 = tpu.memref_slice %arg6[%dma_wait3A_68] : memref<10000xi32, #tpu.memory_space<vmem>> -> memref<80xi32, #tpu.memory_space<vmem>>
    %dma_wait3A_70 = arith.constant 0 : i32
    %dma_wait3A_71 = arith.constant 0 : i32
    %dma_wait3A_72 = tpu.memref_slice %arg2[%arg0, %dma_wait3A_70, %dma_wait3A_71] : memref<2x10000x128xf32, #tpu.memory_space<hbm>> -> memref<1x10000x128xf32, #tpu.memory_space<hbm>>
    %dma_wait3A_73 = tpu.memref_squeeze %dma_wait3A_72 : memref<1x10000x128xf32, #tpu.memory_space<hbm>> -> memref<10000x128xf32, #tpu.memory_space<hbm>>
    %dma_wait3A_74 = arith.constant 0 : i32
    %dma_wait3A_75 = arith.constant 0 : i32
    %dma_wait3A_76 = tpu.memref_slice %dma_wait3A_73[%dma_wait3A_74, %dma_wait3A_75] : memref<10000x128xf32, #tpu.memory_space<hbm>> -> memref<10000x128xf32, #tpu.memory_space<hbm>>
    tpu.wait_indirect_dma semaphore(%arg12 : memref<!tpu.dma_semaphore, #tpu.memory_space<semaphore_mem>>) src(%dma_wait3A_76 : memref<10000x128xf32, #tpu.memory_space<hbm>>) dst(%arg9 : memref<80x128xf32, #tpu.memory_space<vmem>>)
    %dma_start3A_77 = arith.constant 1 : i32
    %dma_start3A_78 = arith.constant 0 : i32
    %dma_start3A_79 = tpu.memref_slice %arg7[%dma_start3A_77, %dma_start3A_78] : memref<125x80xi32, #tpu.memory_space<vmem>> -> memref<1x80xi32, #tpu.memory_space<vmem>>
    %dma_start3A_80 = tpu.memref_squeeze %dma_start3A_79 : memref<1x80xi32, #tpu.memory_space<vmem>> -> memref<80xi32, #tpu.memory_space<vmem>>
    %dma_start3A_81 = arith.constant 0 : i32
    %dma_start3A_82 = arith.constant 0 : i32
    %dma_start3A_83 = tpu.memref_slice %arg10[%dma_start3A_81, %dma_start3A_82] : memref<10240x128xf32, #tpu.memory_space<vmem_shared>> -> memref<10240x128xf32, #tpu.memory_space<vmem_shared>>
    tpu.enqueue_indirect_dma source(%arg9 : memref<80x128xf32, #tpu.memory_space<vmem>>) target(%dma_start3A_83 : memref<10240x128xf32, #tpu.memory_space<vmem_shared>>) offsets(%dma_start3A_80 : memref<80xi32, #tpu.memory_space<vmem>>) semaphore(%arg14 : memref<!tpu.dma_semaphore, #tpu.memory_space<semaphore_mem>>) {add = true}
    %dma_wait3A_84 = arith.constant 0 : i32
    %dma_wait3A_85 = arith.constant 0 : i32
    %dma_wait3A_86 = tpu.memref_slice %arg7[%dma_wait3A_84, %dma_wait3A_85] : memref<125x80xi32, #tpu.memory_space<vmem>> -> memref<1x80xi32, #tpu.memory_space<vmem>>
    %dma_wait3A_87 = tpu.memref_squeeze %dma_wait3A_86 : memref<1x80xi32, #tpu.memory_space<vmem>> -> memref<80xi32, #tpu.memory_space<vmem>>
    %dma_wait3A_88 = arith.constant 0 : i32
    %dma_wait3A_89 = arith.constant 0 : i32
    %dma_wait3A_90 = tpu.memref_slice %arg10[%dma_wait3A_88, %dma_wait3A_89] : memref<10240x128xf32, #tpu.memory_space<vmem_shared>> -> memref<10240x128xf32, #tpu.memory_space<vmem_shared>>
    tpu.wait_indirect_dma semaphore(%arg13 : memref<!tpu.dma_semaphore, #tpu.memory_space<semaphore_mem>>) src(%arg8 : memref<80x128xf32, #tpu.memory_space<vmem>>) dst(%dma_wait3A_90 : memref<10240x128xf32, #tpu.memory_space<vmem_shared>>)
    %dma_start3A_91 = arith.constant 160 : i32
    %dma_start3A_92 = tpu.memref_slice %arg6[%dma_start3A_91] : memref<10000xi32, #tpu.memory_space<vmem>> -> memref<80xi32, #tpu.memory_space<vmem>>
    %dma_start3A_93 = arith.constant 0 : i32
    %dma_start3A_94 = arith.constant 0 : i32
    %dma_start3A_95 = tpu.memref_slice %arg2[%arg0, %dma_start3A_93, %dma_start3A_94] : memref<2x10000x128xf32, #tpu.memory_space<hbm>> -> memref<1x10000x128xf32, #tpu.memory_space<hbm>>
    %dma_start3A_96 = tpu.memref_squeeze %dma_start3A_95 : memref<1x10000x128xf32, #tpu.memory_space<hbm>> -> memref<10000x128xf32, #tpu.memory_space<hbm>>
    %dma_start3A_97 = arith.constant 0 : i32
    %dma_start3A_98 = arith.constant 0 : i32
    %dma_start3A_99 = tpu.memref_slice %dma_start3A_96[%dma_start3A_97, %dma_start3A_98] : memref<10000x128xf32, #tpu.memory_space<hbm>> -> memref<10000x128xf32, #tpu.memory_space<hbm>>
    tpu.enqueue_indirect_dma source(%dma_start3A_99 : memref<10000x128xf32, #tpu.memory_space<hbm>>) target(%arg8 : memref<80x128xf32, #tpu.memory_space<vmem>>) offsets(%dma_start3A_92 : memref<80xi32, #tpu.memory_space<vmem>>) semaphore(%arg11 : memref<!tpu.dma_semaphore, #tpu.memory_space<semaphore_mem>>)
    %scan3A_100 = arith.constant 0 : i32
    %scan3A_101 = arith.constant 1 : i32
    %scan3A_102 = arith.constant 61 : i32
    %scan3A_103 = arith.addi %scan3A_101, %scan3A_102 : i32
    %scan3A_104 = arith.constant 1 : i32
    %scan3A_105 = scf.for %scan3A_142 = %scan3A_101 to %scan3A_103 step %scan3A_104 iter_args(%scan3A_143 = %scan3A_100) -> (i32)  : i32 {
      %dma_wait3A_144 = arith.constant 0 : i32
      %dma_wait3A_145 = tpu.memref_slice %arg6[%dma_wait3A_144] : memref<10000xi32, #tpu.memory_space<vmem>> -> memref<80xi32, #tpu.memory_space<vmem>>
      %dma_wait3A_146 = arith.constant 0 : i32
      %dma_wait3A_147 = arith.constant 0 : i32
      %dma_wait3A_148 = tpu.memref_slice %arg2[%arg0, %dma_wait3A_146, %dma_wait3A_147] : memref<2x10000x128xf32, #tpu.memory_space<hbm>> -> memref<1x10000x128xf32, #tpu.memory_space<hbm>>
      %dma_wait3A_149 = tpu.memref_squeeze %dma_wait3A_148 : memref<1x10000x128xf32, #tpu.memory_space<hbm>> -> memref<10000x128xf32, #tpu.memory_space<hbm>>
      %dma_wait3A_150 = arith.constant 0 : i32
      %dma_wait3A_151 = arith.constant 0 : i32
      %dma_wait3A_152 = tpu.memref_slice %dma_wait3A_149[%dma_wait3A_150, %dma_wait3A_151] : memref<10000x128xf32, #tpu.memory_space<hbm>> -> memref<10000x128xf32, #tpu.memory_space<hbm>>
      tpu.wait_indirect_dma semaphore(%arg11 : memref<!tpu.dma_semaphore, #tpu.memory_space<semaphore_mem>>) src(%dma_wait3A_152 : memref<10000x128xf32, #tpu.memory_space<hbm>>) dst(%arg8 : memref<80x128xf32, #tpu.memory_space<vmem>>)
      %dma_wait3A_153 = arith.constant 0 : i32
      %dma_wait3A_154 = arith.constant 0 : i32
      %dma_wait3A_155 = tpu.memref_slice %arg7[%dma_wait3A_153, %dma_wait3A_154] : memref<125x80xi32, #tpu.memory_space<vmem>> -> memref<1x80xi32, #tpu.memory_space<vmem>>
      %dma_wait3A_156 = tpu.memref_squeeze %dma_wait3A_155 : memref<1x80xi32, #tpu.memory_space<vmem>> -> memref<80xi32, #tpu.memory_space<vmem>>
      %dma_wait3A_157 = arith.constant 0 : i32
      %dma_wait3A_158 = arith.constant 0 : i32
      %dma_wait3A_159 = tpu.memref_slice %arg10[%dma_wait3A_157, %dma_wait3A_158] : memref<10240x128xf32, #tpu.memory_space<vmem_shared>> -> memref<10240x128xf32, #tpu.memory_space<vmem_shared>>
      tpu.wait_indirect_dma semaphore(%arg14 : memref<!tpu.dma_semaphore, #tpu.memory_space<semaphore_mem>>) src(%arg9 : memref<80x128xf32, #tpu.memory_space<vmem>>) dst(%dma_wait3A_159 : memref<10240x128xf32, #tpu.memory_space<vmem_shared>>)
      %mul3A_160 = arith.constant 2 : i32
      %mul3A_161 = arith.muli %mul3A_160, %scan3A_142 : i32
      %add3A_162 = arith.constant 1 : i32
      %add3A_163 = arith.addi %mul3A_161, %add3A_162 : i32
      %mul3A_164 = arith.constant 80 : i32
      %mul3A_165 = arith.muli %add3A_163, %mul3A_164 : i32
      %dma_start3A_166 = tpu.memref_slice %arg6[%mul3A_165] : memref<10000xi32, #tpu.memory_space<vmem>> -> memref<80xi32, #tpu.memory_space<vmem>>
      %dma_start3A_167 = arith.constant 0 : i32
      %dma_start3A_168 = arith.constant 0 : i32
      %dma_start3A_169 = tpu.memref_slice %arg2[%arg0, %dma_start3A_167, %dma_start3A_168] : memref<2x10000x128xf32, #tpu.memory_space<hbm>> -> memref<1x10000x128xf32, #tpu.memory_space<hbm>>
      %dma_start3A_170 = tpu.memref_squeeze %dma_start3A_169 : memref<1x10000x128xf32, #tpu.memory_space<hbm>> -> memref<10000x128xf32, #tpu.memory_space<hbm>>
      %dma_start3A_171 = arith.constant 0 : i32
      %dma_start3A_172 = arith.constant 0 : i32
      %dma_start3A_173 = tpu.memref_slice %dma_start3A_170[%dma_start3A_171, %dma_start3A_172] : memref<10000x128xf32, #tpu.memory_space<hbm>> -> memref<10000x128xf32, #tpu.memory_space<hbm>>
      tpu.enqueue_indirect_dma source(%dma_start3A_173 : memref<10000x128xf32, #tpu.memory_space<hbm>>) target(%arg9 : memref<80x128xf32, #tpu.memory_space<vmem>>) offsets(%dma_start3A_166 : memref<80xi32, #tpu.memory_space<vmem>>) semaphore(%arg12 : memref<!tpu.dma_semaphore, #tpu.memory_space<semaphore_mem>>)
      %mul3A_174 = arith.constant 2 : i32
      %mul3A_175 = arith.muli %mul3A_174, %scan3A_142 : i32
      %dma_start3A_176 = arith.constant 0 : i32
      %dma_start3A_177 = tpu.memref_slice %arg7[%mul3A_175, %dma_start3A_176] : memref<125x80xi32, #tpu.memory_space<vmem>> -> memref<1x80xi32, #tpu.memory_space<vmem>>
      %dma_start3A_178 = tpu.memref_squeeze %dma_start3A_177 : memref<1x80xi32, #tpu.memory_space<vmem>> -> memref<80xi32, #tpu.memory_space<vmem>>
      %dma_start3A_179 = arith.constant 0 : i32
      %dma_start3A_180 = arith.constant 0 : i32
      %dma_start3A_181 = tpu.memref_slice %arg10[%dma_start3A_179, %dma_start3A_180] : memref<10240x128xf32, #tpu.memory_space<vmem_shared>> -> memref<10240x128xf32, #tpu.memory_space<vmem_shared>>
      tpu.enqueue_indirect_dma source(%arg8 : memref<80x128xf32, #tpu.memory_space<vmem>>) target(%dma_start3A_181 : memref<10240x128xf32, #tpu.memory_space<vmem_shared>>) offsets(%dma_start3A_178 : memref<80xi32, #tpu.memory_space<vmem>>) semaphore(%arg13 : memref<!tpu.dma_semaphore, #tpu.memory_space<semaphore_mem>>) {add = true}
      %dma_wait3A_182 = arith.constant 0 : i32
      %dma_wait3A_183 = tpu.memref_slice %arg6[%dma_wait3A_182] : memref<10000xi32, #tpu.memory_space<vmem>> -> memref<80xi32, #tpu.memory_space<vmem>>
      %dma_wait3A_184 = arith.constant 0 : i32
      %dma_wait3A_185 = arith.constant 0 : i32
      %dma_wait3A_186 = tpu.memref_slice %arg2[%arg0, %dma_wait3A_184, %dma_wait3A_185] : memref<2x10000x128xf32, #tpu.memory_space<hbm>> -> memref<1x10000x128xf32, #tpu.memory_space<hbm>>
      %dma_wait3A_187 = tpu.memref_squeeze %dma_wait3A_186 : memref<1x10000x128xf32, #tpu.memory_space<hbm>> -> memref<10000x128xf32, #tpu.memory_space<hbm>>
      %dma_wait3A_188 = arith.constant 0 : i32
      %dma_wait3A_189 = arith.constant 0 : i32
      %dma_wait3A_190 = tpu.memref_slice %dma_wait3A_187[%dma_wait3A_188, %dma_wait3A_189] : memref<10000x128xf32, #tpu.memory_space<hbm>> -> memref<10000x128xf32, #tpu.memory_space<hbm>>
      tpu.wait_indirect_dma semaphore(%arg12 : memref<!tpu.dma_semaphore, #tpu.memory_space<semaphore_mem>>) src(%dma_wait3A_190 : memref<10000x128xf32, #tpu.memory_space<hbm>>) dst(%arg9 : memref<80x128xf32, #tpu.memory_space<vmem>>)
      %mul3A_191 = arith.constant 2 : i32
      %mul3A_192 = arith.muli %mul3A_191, %scan3A_142 : i32
      %add3A_193 = arith.constant 1 : i32
      %add3A_194 = arith.addi %mul3A_192, %add3A_193 : i32
      %dma_start3A_195 = arith.constant 0 : i32
      %dma_start3A_196 = tpu.memref_slice %arg7[%add3A_194, %dma_start3A_195] : memref<125x80xi32, #tpu.memory_space<vmem>> -> memref<1x80xi32, #tpu.memory_space<vmem>>
      %dma_start3A_197 = tpu.memref_squeeze %dma_start3A_196 : memref<1x80xi32, #tpu.memory_space<vmem>> -> memref<80xi32, #tpu.memory_space<vmem>>
      %dma_start3A_198 = arith.constant 0 : i32
      %dma_start3A_199 = arith.constant 0 : i32
      %dma_start3A_200 = tpu.memref_slice %arg10[%dma_start3A_198, %dma_start3A_199] : memref<10240x128xf32, #tpu.memory_space<vmem_shared>> -> memref<10240x128xf32, #tpu.memory_space<vmem_shared>>
      tpu.enqueue_indirect_dma source(%arg9 : memref<80x128xf32, #tpu.memory_space<vmem>>) target(%dma_start3A_200 : memref<10240x128xf32, #tpu.memory_space<vmem_shared>>) offsets(%dma_start3A_197 : memref<80xi32, #tpu.memory_space<vmem>>) semaphore(%arg14 : memref<!tpu.dma_semaphore, #tpu.memory_space<semaphore_mem>>) {add = true}
      %dma_wait3A_201 = arith.constant 0 : i32
      %dma_wait3A_202 = arith.constant 0 : i32
      %dma_wait3A_203 = tpu.memref_slice %arg7[%dma_wait3A_201, %dma_wait3A_202] : memref<125x80xi32, #tpu.memory_space<vmem>> -> memref<1x80xi32, #tpu.memory_space<vmem>>
      %dma_wait3A_204 = tpu.memref_squeeze %dma_wait3A_203 : memref<1x80xi32, #tpu.memory_space<vmem>> -> memref<80xi32, #tpu.memory_space<vmem>>
      %dma_wait3A_205 = arith.constant 0 : i32
      %dma_wait3A_206 = arith.constant 0 : i32
      %dma_wait3A_207 = tpu.memref_slice %arg10[%dma_wait3A_205, %dma_wait3A_206] : memref<10240x128xf32, #tpu.memory_space<vmem_shared>> -> memref<10240x128xf32, #tpu.memory_space<vmem_shared>>
      tpu.wait_indirect_dma semaphore(%arg13 : memref<!tpu.dma_semaphore, #tpu.memory_space<semaphore_mem>>) src(%arg8 : memref<80x128xf32, #tpu.memory_space<vmem>>) dst(%dma_wait3A_207 : memref<10240x128xf32, #tpu.memory_space<vmem_shared>>)
      %mul3A_208 = arith.constant 2 : i32
      %mul3A_209 = arith.muli %mul3A_208, %scan3A_142 : i32
      %add3A_210 = arith.constant 2 : i32
      %add3A_211 = arith.addi %mul3A_209, %add3A_210 : i32
      %mul3A_212 = arith.constant 80 : i32
      %mul3A_213 = arith.muli %add3A_211, %mul3A_212 : i32
      %dma_start3A_214 = tpu.memref_slice %arg6[%mul3A_213] : memref<10000xi32, #tpu.memory_space<vmem>> -> memref<80xi32, #tpu.memory_space<vmem>>
      %dma_start3A_215 = arith.constant 0 : i32
      %dma_start3A_216 = arith.constant 0 : i32
      %dma_start3A_217 = tpu.memref_slice %arg2[%arg0, %dma_start3A_215, %dma_start3A_216] : memref<2x10000x128xf32, #tpu.memory_space<hbm>> -> memref<1x10000x128xf32, #tpu.memory_space<hbm>>
      %dma_start3A_218 = tpu.memref_squeeze %dma_start3A_217 : memref<1x10000x128xf32, #tpu.memory_space<hbm>> -> memref<10000x128xf32, #tpu.memory_space<hbm>>
      %dma_start3A_219 = arith.constant 0 : i32
      %dma_start3A_220 = arith.constant 0 : i32
      %dma_start3A_221 = tpu.memref_slice %dma_start3A_218[%dma_start3A_219, %dma_start3A_220] : memref<10000x128xf32, #tpu.memory_space<hbm>> -> memref<10000x128xf32, #tpu.memory_space<hbm>>
      tpu.enqueue_indirect_dma source(%dma_start3A_221 : memref<10000x128xf32, #tpu.memory_space<hbm>>) target(%arg8 : memref<80x128xf32, #tpu.memory_space<vmem>>) offsets(%dma_start3A_214 : memref<80xi32, #tpu.memory_space<vmem>>) semaphore(%arg11 : memref<!tpu.dma_semaphore, #tpu.memory_space<semaphore_mem>>)
      %scan3A_222 = arith.constant 0 : i32
      scf.yield %scan3A_222 : i32
    }
    %scan3A_106 = arith.constant 61 : i32
    %dma_wait3A_107 = arith.constant 0 : i32
    %dma_wait3A_108 = tpu.memref_slice %arg6[%dma_wait3A_107] : memref<10000xi32, #tpu.memory_space<vmem>> -> memref<80xi32, #tpu.memory_space<vmem>>
    %dma_wait3A_109 = arith.constant 0 : i32
    %dma_wait3A_110 = arith.constant 0 : i32
    %dma_wait3A_111 = tpu.memref_slice %arg2[%arg0, %dma_wait3A_109, %dma_wait3A_110] : memref<2x10000x128xf32, #tpu.memory_space<hbm>> -> memref<1x10000x128xf32, #tpu.memory_space<hbm>>
    %dma_wait3A_112 = tpu.memref_squeeze %dma_wait3A_111 : memref<1x10000x128xf32, #tpu.memory_space<hbm>> -> memref<10000x128xf32, #tpu.memory_space<hbm>>
    %dma_wait3A_113 = arith.constant 0 : i32
    %dma_wait3A_114 = arith.constant 0 : i32
    %dma_wait3A_115 = tpu.memref_slice %dma_wait3A_112[%dma_wait3A_113, %dma_wait3A_114] : memref<10000x128xf32, #tpu.memory_space<hbm>> -> memref<10000x128xf32, #tpu.memory_space<hbm>>
    tpu.wait_indirect_dma semaphore(%arg11 : memref<!tpu.dma_semaphore, #tpu.memory_space<semaphore_mem>>) src(%dma_wait3A_115 : memref<10000x128xf32, #tpu.memory_space<hbm>>) dst(%arg8 : memref<80x128xf32, #tpu.memory_space<vmem>>)
    %dma_wait3A_116 = arith.constant 0 : i32
    %dma_wait3A_117 = arith.constant 0 : i32
    %dma_wait3A_118 = tpu.memref_slice %arg7[%dma_wait3A_116, %dma_wait3A_117] : memref<125x80xi32, #tpu.memory_space<vmem>> -> memref<1x80xi32, #tpu.memory_space<vmem>>
    %dma_wait3A_119 = tpu.memref_squeeze %dma_wait3A_118 : memref<1x80xi32, #tpu.memory_space<vmem>> -> memref<80xi32, #tpu.memory_space<vmem>>
    %dma_wait3A_120 = arith.constant 0 : i32
    %dma_wait3A_121 = arith.constant 0 : i32
    %dma_wait3A_122 = tpu.memref_slice %arg10[%dma_wait3A_120, %dma_wait3A_121] : memref<10240x128xf32, #tpu.memory_space<vmem_shared>> -> memref<10240x128xf32, #tpu.memory_space<vmem_shared>>
    tpu.wait_indirect_dma semaphore(%arg14 : memref<!tpu.dma_semaphore, #tpu.memory_space<semaphore_mem>>) src(%arg9 : memref<80x128xf32, #tpu.memory_space<vmem>>) dst(%dma_wait3A_122 : memref<10240x128xf32, #tpu.memory_space<vmem_shared>>)
    %dma_start3A_123 = arith.constant 124 : i32
    %dma_start3A_124 = arith.constant 0 : i32
    %dma_start3A_125 = tpu.memref_slice %arg7[%dma_start3A_123, %dma_start3A_124] : memref<125x80xi32, #tpu.memory_space<vmem>> -> memref<1x80xi32, #tpu.memory_space<vmem>>
    %dma_start3A_126 = tpu.memref_squeeze %dma_start3A_125 : memref<1x80xi32, #tpu.memory_space<vmem>> -> memref<80xi32, #tpu.memory_space<vmem>>
    %dma_start3A_127 = arith.constant 0 : i32
    %dma_start3A_128 = arith.constant 0 : i32
    %dma_start3A_129 = tpu.memref_slice %arg10[%dma_start3A_127, %dma_start3A_128] : memref<10240x128xf32, #tpu.memory_space<vmem_shared>> -> memref<10240x128xf32, #tpu.memory_space<vmem_shared>>
    tpu.enqueue_indirect_dma source(%arg8 : memref<80x128xf32, #tpu.memory_space<vmem>>) target(%dma_start3A_129 : memref<10240x128xf32, #tpu.memory_space<vmem_shared>>) offsets(%dma_start3A_126 : memref<80xi32, #tpu.memory_space<vmem>>) semaphore(%arg13 : memref<!tpu.dma_semaphore, #tpu.memory_space<semaphore_mem>>) {add = true}
    %dma_wait3A_130 = arith.constant 0 : i32
    %dma_wait3A_131 = arith.constant 0 : i32
    %dma_wait3A_132 = tpu.memref_slice %arg7[%dma_wait3A_130, %dma_wait3A_131] : memref<125x80xi32, #tpu.memory_space<vmem>> -> memref<1x80xi32, #tpu.memory_space<vmem>>
    %dma_wait3A_133 = tpu.memref_squeeze %dma_wait3A_132 : memref<1x80xi32, #tpu.memory_space<vmem>> -> memref<80xi32, #tpu.memory_space<vmem>>
    %dma_wait3A_134 = arith.constant 0 : i32
    %dma_wait3A_135 = arith.constant 0 : i32
    %dma_wait3A_136 = tpu.memref_slice %arg10[%dma_wait3A_134, %dma_wait3A_135] : memref<10240x128xf32, #tpu.memory_space<vmem_shared>> -> memref<10240x128xf32, #tpu.memory_space<vmem_shared>>
    tpu.wait_indirect_dma semaphore(%arg13 : memref<!tpu.dma_semaphore, #tpu.memory_space<semaphore_mem>>) src(%arg8 : memref<80x128xf32, #tpu.memory_space<vmem>>) dst(%dma_wait3A_136 : memref<10240x128xf32, #tpu.memory_space<vmem_shared>>)
    %barrier3A_137 = arith.constant 0 : index
    tpu.barrier barrier_id(%barrier3A_137)
    %mul3A_138 = arith.constant 640 : i32
    %mul3A_139 = arith.muli %arg1, %mul3A_138 : i32
    %mul3A_140 = arith.constant 640 : i32
    %mul3A_141 = arith.muli %arg1, %mul3A_140 : i32
    "tpu.region"() ({
      %run_scoped3A = tpu.sem_alloc : memref<!tpu.dma_semaphore, #tpu.memory_space<semaphore_mem>>
      %dma_start3A_142 = arith.constant 0 : i32
      %dma_start3A_143 = tpu.memref_slice %arg5[%arg0, %mul3A_141, %dma_start3A_142] : memref<2x10240x128xf32, #tpu.memory_space<hbm>> -> memref<1x640x128xf32, #tpu.memory_space<hbm>>
      %dma_start3A_144 = tpu.memref_squeeze %dma_start3A_143 : memref<1x640x128xf32, #tpu.memory_space<hbm>> -> memref<640x128xf32, #tpu.memory_space<hbm>>
      %dma_start3A_145 = arith.constant 0 : i32
      %dma_start3A_146 = tpu.memref_slice %arg10[%mul3A_139, %dma_start3A_145] : memref<10240x128xf32, #tpu.memory_space<vmem_shared>> -> memref<640x128xf32, #tpu.memory_space<vmem_shared>>
      tpu.enqueue_dma source(%dma_start3A_146 : memref<640x128xf32, #tpu.memory_space<vmem_shared>>) target(%dma_start3A_144 : memref<640x128xf32, #tpu.memory_space<hbm>>) target_semaphore(%run_scoped3A : memref<!tpu.dma_semaphore, #tpu.memory_space<semaphore_mem>>)
      %dma_wait3A_147 = arith.constant 0 : i32
      %dma_wait3A_148 = tpu.memref_slice %arg5[%arg0, %mul3A_141, %dma_wait3A_147] : memref<2x10240x128xf32, #tpu.memory_space<hbm>> -> memref<1x640x128xf32, #tpu.memory_space<hbm>>
      %dma_wait3A_149 = tpu.memref_squeeze %dma_wait3A_148 : memref<1x640x128xf32, #tpu.memory_space<hbm>> -> memref<640x128xf32, #tpu.memory_space<hbm>>
      %dma_wait3A_150 = arith.constant 0 : i32
      %dma_wait3A_151 = tpu.memref_slice %arg10[%mul3A_139, %dma_wait3A_150] : memref<10240x128xf32, #tpu.memory_space<vmem_shared>> -> memref<640x128xf32, #tpu.memory_space<vmem_shared>>
      tpu.wait_dma2 semaphore(%run_scoped3A : memref<!tpu.dma_semaphore, #tpu.memory_space<semaphore_mem>>) src(%dma_wait3A_151 : memref<640x128xf32, #tpu.memory_space<vmem_shared>>) dst(%dma_wait3A_149 : memref<640x128xf32, #tpu.memory_space<hbm>>)
      tpu.yield
    }) : () -> ()
    return
  }
}

#map = affine_map<(d0, d1) -> (0, 0, 0)>
#map1 = affine_map<(d0, d1) -> (0, 0, 0, 0)>
module attributes {stable_mosaic.version = 14 : i64} {
  func.func @_bincount_body(%arg0: i32, %arg1: i32, %arg2: memref<32x125x40xi32, #tpu.memory_space<hbm>>, %arg3: memref<2x16x1x640xf32, #tpu.memory_space<hbm>>, %arg4: memref<125x40xi32, #tpu.memory_space<vmem>>, %arg5: memref<48xf32, #tpu.memory_space<vmem>>, %arg6: memref<640xf32, #tpu.memory_space<vmem>>, %arg7: memref<10240xf32, #tpu.memory_space<vmem_shared>>) attributes {dimension_semantics = [#tpu.dimension_semantics<core_parallel>, #tpu.dimension_semantics<subcore_parallel>], iteration_bounds = array<i64: 2, 16>, scalar_prefetch = 0 : i64, scratch_operands = 4 : i64, tpu.core_type = #tpu.core_type<sc_vector_subcore>, window_params = [{transform_indices = #map}, {transform_indices = #map1}]} {
    %mul3A = arith.constant 16 : i32
    %mul3A_0 = arith.muli %arg0, %mul3A : i32
    %add3A = arith.addi %mul3A_0, %arg1 : i32
    "tpu.region"() ({
      %run_scoped3A_35 = tpu.sem_alloc : memref<!tpu.dma_semaphore, #tpu.memory_space<semaphore_mem>>
      %dma_start3A = arith.constant 0 : i32
      %dma_start3A_36 = arith.constant 0 : i32
      %dma_start3A_37 = tpu.memref_slice %arg2[%add3A, %dma_start3A, %dma_start3A_36] : memref<32x125x40xi32, #tpu.memory_space<hbm>> -> memref<1x125x40xi32, #tpu.memory_space<hbm>>
      %dma_start3A_38 = tpu.memref_squeeze %dma_start3A_37 : memref<1x125x40xi32, #tpu.memory_space<hbm>> -> memref<125x40xi32, #tpu.memory_space<hbm>>
      %dma_start3A_39 = arith.constant 0 : i32
      %dma_start3A_40 = arith.constant 0 : i32
      %dma_start3A_41 = tpu.memref_slice %arg2[%add3A, %dma_start3A_39, %dma_start3A_40] : memref<32x125x40xi32, #tpu.memory_space<hbm>> -> memref<1x125x40xi32, #tpu.memory_space<hbm>>
      %dma_start3A_42 = tpu.memref_squeeze %dma_start3A_41 : memref<1x125x40xi32, #tpu.memory_space<hbm>> -> memref<125x40xi32, #tpu.memory_space<hbm>>
      tpu.enqueue_dma source(%dma_start3A_42 : memref<125x40xi32, #tpu.memory_space<hbm>>) target(%arg4 : memref<125x40xi32, #tpu.memory_space<vmem>>) target_semaphore(%run_scoped3A_35 : memref<!tpu.dma_semaphore, #tpu.memory_space<semaphore_mem>>)
      %dma_wait3A = arith.constant 0 : i32
      %dma_wait3A_43 = arith.constant 0 : i32
      %dma_wait3A_44 = tpu.memref_slice %arg2[%add3A, %dma_wait3A, %dma_wait3A_43] : memref<32x125x40xi32, #tpu.memory_space<hbm>> -> memref<1x125x40xi32, #tpu.memory_space<hbm>>
      %dma_wait3A_45 = tpu.memref_squeeze %dma_wait3A_44 : memref<1x125x40xi32, #tpu.memory_space<hbm>> -> memref<125x40xi32, #tpu.memory_space<hbm>>
      %dma_wait3A_46 = arith.constant 0 : i32
      %dma_wait3A_47 = arith.constant 0 : i32
      %dma_wait3A_48 = tpu.memref_slice %arg2[%add3A, %dma_wait3A_46, %dma_wait3A_47] : memref<32x125x40xi32, #tpu.memory_space<hbm>> -> memref<1x125x40xi32, #tpu.memory_space<hbm>>
      %dma_wait3A_49 = tpu.memref_squeeze %dma_wait3A_48 : memref<1x125x40xi32, #tpu.memory_space<hbm>> -> memref<125x40xi32, #tpu.memory_space<hbm>>
      tpu.wait_dma2 semaphore(%run_scoped3A_35 : memref<!tpu.dma_semaphore, #tpu.memory_space<semaphore_mem>>) src(%dma_wait3A_49 : memref<125x40xi32, #tpu.memory_space<hbm>>) dst(%arg4 : memref<125x40xi32, #tpu.memory_space<vmem>>)
      tpu.yield
    }) : () -> ()
    %broadcast_in_dim3A = arith.constant 1.000000e+00 : f32
    %broadcast_in_dim3A_1 = vector.broadcast %broadcast_in_dim3A : f32 to vector<16xf32>
    %swap3A = arith.constant 0 : index
    %swap3A_2 = tpu.vector_load %arg5[%swap3A] {strides = array<i32>} : memref<48xf32, #tpu.memory_space<vmem>>, vector<16xf32>,
    %swap3A_3 = vector.shape_cast %swap3A_2 : vector<16xf32> to vector<16xf32>
    %swap3A_4 = vector.shape_cast %broadcast_in_dim3A_1 : vector<16xf32> to vector<16xf32>
    tpu.vector_store %arg5[%swap3A], %swap3A_4 {strides = array<i32>} : memref<48xf32, #tpu.memory_space<vmem>>, vector<16xf32>,
    %broadcast_in_dim3A_5 = arith.constant 1.000000e+00 : f32
    %broadcast_in_dim3A_6 = vector.broadcast %broadcast_in_dim3A_5 : f32 to vector<16xf32>
    %swap3A_7 = arith.constant 16 : index
    %swap3A_8 = tpu.vector_load %arg5[%swap3A_7] {strides = array<i32>} : memref<48xf32, #tpu.memory_space<vmem>>, vector<16xf32>,
    %swap3A_9 = vector.shape_cast %swap3A_8 : vector<16xf32> to vector<16xf32>
    %swap3A_10 = vector.shape_cast %broadcast_in_dim3A_6 : vector<16xf32> to vector<16xf32>
    tpu.vector_store %arg5[%swap3A_7], %swap3A_10 {strides = array<i32>} : memref<48xf32, #tpu.memory_space<vmem>>, vector<16xf32>,
    %broadcast_in_dim3A_11 = arith.constant 1.000000e+00 : f32
    %broadcast_in_dim3A_12 = vector.broadcast %broadcast_in_dim3A_11 : f32 to vector<16xf32>
    %swap3A_13 = arith.constant 32 : index
    %swap3A_14 = tpu.vector_load %arg5[%swap3A_13] {strides = array<i32>} : memref<48xf32, #tpu.memory_space<vmem>>, vector<16xf32>,
    %swap3A_15 = vector.shape_cast %swap3A_14 : vector<16xf32> to vector<16xf32>
    %swap3A_16 = vector.shape_cast %broadcast_in_dim3A_12 : vector<16xf32> to vector<16xf32>
    tpu.vector_store %arg5[%swap3A_13], %swap3A_16 {strides = array<i32>} : memref<48xf32, #tpu.memory_space<vmem>>, vector<16xf32>,
    %scan3A = arith.constant 0 : i32
    %scan3A_17 = arith.constant 0 : i32
    %scan3A_18 = arith.constant 40 : i32
    %scan3A_19 = arith.addi %scan3A_17, %scan3A_18 : i32
    %scan3A_20 = arith.constant 1 : i32
    %scan3A_21 = scf.for %scan3A_35 = %scan3A_17 to %scan3A_19 step %scan3A_20 iter_args(%scan3A_36 = %scan3A) -> (i32)  : i32 {
      %broadcast_in_dim3A_37 = arith.constant 0.000000e+00 : f32
      %broadcast_in_dim3A_38 = vector.broadcast %broadcast_in_dim3A_37 : f32 to vector<16xf32>
      %mul3A_39 = arith.constant 16 : i32
      %mul3A_40 = arith.muli %scan3A_35, %mul3A_39 : i32
      %swap3A_41 = arith.index_cast %mul3A_40 : i32 to index
      %swap3A_42 = tpu.vector_load %arg6[%swap3A_41] {strides = array<i32>} : memref<640xf32, #tpu.memory_space<vmem>>, vector<16xf32>,
      %swap3A_43 = vector.shape_cast %swap3A_42 : vector<16xf32> to vector<16xf32>
      %swap3A_44 = vector.shape_cast %broadcast_in_dim3A_38 : vector<16xf32> to vector<16xf32>
      tpu.vector_store %arg6[%swap3A_41], %swap3A_44 {strides = array<i32>} : memref<640xf32, #tpu.memory_space<vmem>>, vector<16xf32>,
      %scan3A_45 = arith.constant 0 : i32
      scf.yield %scan3A_45 : i32
    }
    %scan3A_22 = arith.constant 40 : i32
    %mul3A_23 = arith.constant 640 : i32
    %mul3A_24 = arith.muli %arg1, %mul3A_23 : i32
    "tpu.region"() ({
      %run_scoped3A_35 = tpu.sem_alloc : memref<!tpu.dma_semaphore, #tpu.memory_space<semaphore_mem>>
      %dma_start3A = tpu.memref_slice %arg7[%mul3A_24] : memref<10240xf32, #tpu.memory_space<vmem_shared>> -> memref<640xf32, #tpu.memory_space<vmem_shared>>
      %dma_start3A_36 = tpu.memref_slice %arg7[%mul3A_24] : memref<10240xf32, #tpu.memory_space<vmem_shared>> -> memref<640xf32, #tpu.memory_space<vmem_shared>>
      tpu.enqueue_dma source(%arg6 : memref<640xf32, #tpu.memory_space<vmem>>) target(%dma_start3A_36 : memref<640xf32, #tpu.memory_space<vmem_shared>>) target_semaphore(%run_scoped3A_35 : memref<!tpu.dma_semaphore, #tpu.memory_space<semaphore_mem>>)
      %dma_wait3A = tpu.memref_slice %arg7[%mul3A_24] : memref<10240xf32, #tpu.memory_space<vmem_shared>> -> memref<640xf32, #tpu.memory_space<vmem_shared>>
      %dma_wait3A_37 = tpu.memref_slice %arg7[%mul3A_24] : memref<10240xf32, #tpu.memory_space<vmem_shared>> -> memref<640xf32, #tpu.memory_space<vmem_shared>>
      tpu.wait_dma2 semaphore(%run_scoped3A_35 : memref<!tpu.dma_semaphore, #tpu.memory_space<semaphore_mem>>) src(%arg6 : memref<640xf32, #tpu.memory_space<vmem>>) dst(%dma_wait3A_37 : memref<640xf32, #tpu.memory_space<vmem_shared>>)
      tpu.yield
    }) : () -> ()
    %barrier3A = arith.constant 0 : index
    tpu.barrier barrier_id(%barrier3A)
    %scan3A_25 = arith.constant 0 : i32
    %scan3A_26 = arith.constant 0 : i32
    %scan3A_27 = arith.constant 125 : i32
    %scan3A_28 = arith.addi %scan3A_26, %scan3A_27 : i32
    %scan3A_29 = arith.constant 1 : i32
    %scan3A_30 = scf.for %scan3A_35 = %scan3A_26 to %scan3A_28 step %scan3A_29 iter_args(%scan3A_36 = %scan3A_25) -> (i32)  : i32 {
      "tpu.region"() ({
        %run_scoped3A_38 = tpu.sem_alloc : memref<!tpu.dma_semaphore, #tpu.memory_space<semaphore_mem>>
        %dma_start3A = arith.constant 0 : i32
        %dma_start3A_39 = tpu.memref_slice %arg5[%dma_start3A] : memref<48xf32, #tpu.memory_space<vmem>> -> memref<40xf32, #tpu.memory_space<vmem>>
        %dma_start3A_40 = arith.constant 0 : i32
        %dma_start3A_41 = tpu.memref_slice %arg4[%scan3A_35, %dma_start3A_40] : memref<125x40xi32, #tpu.memory_space<vmem>> -> memref<1x40xi32, #tpu.memory_space<vmem>>
        %dma_start3A_42 = tpu.memref_squeeze %dma_start3A_41 : memref<1x40xi32, #tpu.memory_space<vmem>> -> memref<40xi32, #tpu.memory_space<vmem>>
        %dma_start3A_43 = arith.constant 0 : i32
        %dma_start3A_44 = tpu.memref_slice %arg7[%dma_start3A_43] : memref<10240xf32, #tpu.memory_space<vmem_shared>> -> memref<10240xf32, #tpu.memory_space<vmem_shared>>
        tpu.enqueue_indirect_dma source(%dma_start3A_39 : memref<40xf32, #tpu.memory_space<vmem>>) target(%dma_start3A_44 : memref<10240xf32, #tpu.memory_space<vmem_shared>>) offsets(%dma_start3A_42 : memref<40xi32, #tpu.memory_space<vmem>>) semaphore(%run_scoped3A_38 : memref<!tpu.dma_semaphore, #tpu.memory_space<semaphore_mem>>) {add = true}
        %dma_wait3A = arith.constant 0 : i32
        %dma_wait3A_45 = tpu.memref_slice %arg5[%dma_wait3A] : memref<48xf32, #tpu.memory_space<vmem>> -> memref<40xf32, #tpu.memory_space<vmem>>
        %dma_wait3A_46 = arith.constant 0 : i32
        %dma_wait3A_47 = tpu.memref_slice %arg4[%scan3A_35, %dma_wait3A_46] : memref<125x40xi32, #tpu.memory_space<vmem>> -> memref<1x40xi32, #tpu.memory_space<vmem>>
        %dma_wait3A_48 = tpu.memref_squeeze %dma_wait3A_47 : memref<1x40xi32, #tpu.memory_space<vmem>> -> memref<40xi32, #tpu.memory_space<vmem>>
        %dma_wait3A_49 = arith.constant 0 : i32
        %dma_wait3A_50 = tpu.memref_slice %arg7[%dma_wait3A_49] : memref<10240xf32, #tpu.memory_space<vmem_shared>> -> memref<10240xf32, #tpu.memory_space<vmem_shared>>
        tpu.wait_indirect_dma semaphore(%run_scoped3A_38 : memref<!tpu.dma_semaphore, #tpu.memory_space<semaphore_mem>>) src(%dma_wait3A_45 : memref<40xf32, #tpu.memory_space<vmem>>) dst(%dma_wait3A_50 : memref<10240xf32, #tpu.memory_space<vmem_shared>>)
        tpu.yield
      }) : () -> ()
      %scan3A_37 = arith.constant 0 : i32
      scf.yield %scan3A_37 : i32
    }
    %scan3A_31 = arith.constant 125 : i32
    %barrier3A_32 = arith.constant 0 : index
    tpu.barrier barrier_id(%barrier3A_32)
    %mul3A_33 = arith.constant 640 : i32
    %mul3A_34 = arith.muli %arg1, %mul3A_33 : i32
    "tpu.region"() ({
      %run_scoped3A_35 = tpu.sem_alloc : memref<!tpu.dma_semaphore, #tpu.memory_space<semaphore_mem>>
      %dma_start3A = tpu.memref_slice %arg7[%mul3A_34] : memref<10240xf32, #tpu.memory_space<vmem_shared>> -> memref<640xf32, #tpu.memory_space<vmem_shared>>
      %dma_start3A_36 = tpu.memref_slice %arg7[%mul3A_34] : memref<10240xf32, #tpu.memory_space<vmem_shared>> -> memref<640xf32, #tpu.memory_space<vmem_shared>>
      tpu.enqueue_dma source(%dma_start3A_36 : memref<640xf32, #tpu.memory_space<vmem_shared>>) target(%arg6 : memref<640xf32, #tpu.memory_space<vmem>>) target_semaphore(%run_scoped3A_35 : memref<!tpu.dma_semaphore, #tpu.memory_space<semaphore_mem>>)
      %dma_wait3A = tpu.memref_slice %arg7[%mul3A_34] : memref<10240xf32, #tpu.memory_space<vmem_shared>> -> memref<640xf32, #tpu.memory_space<vmem_shared>>
      %dma_wait3A_37 = tpu.memref_slice %arg7[%mul3A_34] : memref<10240xf32, #tpu.memory_space<vmem_shared>> -> memref<640xf32, #tpu.memory_space<vmem_shared>>
      tpu.wait_dma2 semaphore(%run_scoped3A_35 : memref<!tpu.dma_semaphore, #tpu.memory_space<semaphore_mem>>) src(%dma_wait3A_37 : memref<640xf32, #tpu.memory_space<vmem_shared>>) dst(%arg6 : memref<640xf32, #tpu.memory_space<vmem>>)
      tpu.yield
    }) : () -> ()
    %run_scoped3A = arith.constant 0 : i32
    "tpu.region"() ({
      %run_scoped3A_35 = tpu.sem_alloc : memref<!tpu.dma_semaphore, #tpu.memory_space<semaphore_mem>>
      %dma_start3A = arith.constant 0 : i32
      %dma_start3A_36 = tpu.memref_slice %arg3[%arg0, %arg1, %run_scoped3A, %dma_start3A] : memref<2x16x1x640xf32, #tpu.memory_space<hbm>> -> memref<1x1x1x640xf32, #tpu.memory_space<hbm>>
      %dma_start3A_37 = tpu.memref_squeeze %dma_start3A_36 : memref<1x1x1x640xf32, #tpu.memory_space<hbm>> -> memref<640xf32, #tpu.memory_space<hbm>>
      %dma_start3A_38 = arith.constant 0 : i32
      %dma_start3A_39 = tpu.memref_slice %arg3[%arg0, %arg1, %run_scoped3A, %dma_start3A_38] : memref<2x16x1x640xf32, #tpu.memory_space<hbm>> -> memref<1x1x1x640xf32, #tpu.memory_space<hbm>>
      %dma_start3A_40 = tpu.memref_squeeze %dma_start3A_39 : memref<1x1x1x640xf32, #tpu.memory_space<hbm>> -> memref<640xf32, #tpu.memory_space<hbm>>
      tpu.enqueue_dma source(%arg6 : memref<640xf32, #tpu.memory_space<vmem>>) target(%dma_start3A_40 : memref<640xf32, #tpu.memory_space<hbm>>) target_semaphore(%run_scoped3A_35 : memref<!tpu.dma_semaphore, #tpu.memory_space<semaphore_mem>>)
      %dma_wait3A = arith.constant 0 : i32
      %dma_wait3A_41 = tpu.memref_slice %arg3[%arg0, %arg1, %run_scoped3A, %dma_wait3A] : memref<2x16x1x640xf32, #tpu.memory_space<hbm>> -> memref<1x1x1x640xf32, #tpu.memory_space<hbm>>
      %dma_wait3A_42 = tpu.memref_squeeze %dma_wait3A_41 : memref<1x1x1x640xf32, #tpu.memory_space<hbm>> -> memref<640xf32, #tpu.memory_space<hbm>>
      %dma_wait3A_43 = arith.constant 0 : i32
      %dma_wait3A_44 = tpu.memref_slice %arg3[%arg0, %arg1, %run_scoped3A, %dma_wait3A_43] : memref<2x16x1x640xf32, #tpu.memory_space<hbm>> -> memref<1x1x1x640xf32, #tpu.memory_space<hbm>>
      %dma_wait3A_45 = tpu.memref_squeeze %dma_wait3A_44 : memref<1x1x1x640xf32, #tpu.memory_space<hbm>> -> memref<640xf32, #tpu.memory_space<hbm>>
      tpu.wait_dma2 semaphore(%run_scoped3A_35 : memref<!tpu.dma_semaphore, #tpu.memory_space<semaphore_mem>>) src(%arg6 : memref<640xf32, #tpu.memory_space<vmem>>) dst(%dma_wait3A_45 : memref<640xf32, #tpu.memory_space<hbm>>)
      tpu.yield
    }) : () -> ()
    return
  }
}

module attributes {stable_mosaic.version = 14 : i64} {
  func.func @_mp_body(%arg0: i32, %arg1: memref<2000x256xf32, #tpu.memory_space<vmem>>, %arg2: memref<256x256xf32, #tpu.memory_space<vmem>>, %arg3: memref<1x256xf32, #tpu.memory_space<vmem>>, %arg4: memref<2000x1xf32, #tpu.memory_space<vmem>>, %arg5: memref<2000x1xf32, #tpu.memory_space<vmem>>, %arg6: memref<1x256xf32, #tpu.memory_space<vmem>>, %arg7: memref<2x2000x128xf32, #tpu.memory_space<vmem>>, %arg8: memref<2000x256xf32, #tpu.memory_space<vmem>>, %arg9: memref<2000x1xf32, #tpu.memory_space<vmem>>) attributes {dimension_semantics = [#tpu.dimension_semantics<arbitrary>], iteration_bounds = array<i64: 5>, scalar_prefetch = 0 : i64, scratch_operands = 0 : i64, tpu.core_type = #tpu.core_type<tc>, window_params = [{transform_indices = @transform_0, window_bounds = array<i64: 2000, 256>}, {pipeline_mode = #tpu.pipeline_mode<synchronous>, transform_indices = @transform_1, window_bounds = array<i64: 256, 256>}, {pipeline_mode = #tpu.pipeline_mode<synchronous>, transform_indices = @transform_2, window_bounds = array<i64: 1, 256>}, {transform_indices = @transform_3, window_bounds = array<i64: 2000, 1>}, {transform_indices = @transform_4, window_bounds = array<i64: 2000, 1>}, {pipeline_mode = #tpu.pipeline_mode<synchronous>, transform_indices = @transform_5, window_bounds = array<i64: 1, 256>}, {transform_indices = @transform_6, window_bounds = array<i64: 2, 2000, 128>}, {transform_indices = @transform_7, window_bounds = array<i64: 2000, 256>}, {transform_indices = @transform_8, window_bounds = array<i64: 2000, 1>}]} {
    %get3A = arith.constant 0 : index
    %get3A_0 = arith.constant 0 : index
    %get3A_1 = vector.load %arg1[%get3A, %get3A_0] : memref<2000x256xf32, #tpu.memory_space<vmem>>, vector<2000x256xf32>
    %get3A_2 = arith.constant 0 : index
    %get3A_3 = arith.constant 0 : index
    %get3A_4 = vector.load %arg2[%get3A_2, %get3A_3] : memref<256x256xf32, #tpu.memory_space<vmem>>, vector<256x256xf32>
    %dot_general3A = arith.constant dense<0.000000e+00> : vector<2000x256xf32>
    %dot_general3A_5 = tpu.matmul %get3A_1, %get3A_4, %dot_general3A {dimension_numbers = #tpu.dot_dimension_numbers<[1], [0], [0], [1], [0, 0, 1, 1], [], []>, transpose_lhs_hint = false} : vector<2000x256xf32>, vector<256x256xf32>, vector<2000x256xf32> -> vector<2000x256xf32>
    %get3A_6 = arith.constant 0 : index
    %get3A_7 = arith.constant 0 : index
    %get3A_8 = vector.load %arg3[%get3A_6, %get3A_7] : memref<1x256xf32, #tpu.memory_space<vmem>>, vector<1x256xf32>
    %add3A = vector.broadcast %get3A_8 : vector<1x256xf32> to vector<2000x256xf32>
    %add3A_9 = arith.addf %dot_general3A_5, %add3A : vector<2000x256xf32>
    %get3A_10 = arith.constant 0 : index
    %get3A_11 = arith.constant 0 : index
    %get3A_12 = vector.load %arg4[%get3A_10, %get3A_11] : memref<2000x1xf32, #tpu.memory_space<vmem>>, vector<2000x1xf32>
    %get3A_13 = arith.constant 0 : index
    %get3A_14 = arith.constant 0 : index
    %get3A_15 = vector.load %arg5[%get3A_13, %get3A_14] : memref<2000x1xf32, #tpu.memory_space<vmem>>, vector<2000x1xf32>
    %add3A_16 = arith.addf %get3A_12, %get3A_15 : vector<2000x1xf32>
    %add3A_17 = arith.constant 1.000000e+00 : f32
    %add3A_18 = vector.broadcast %add3A_17 : f32 to vector<2000x1xf32>
    %add3A_19 = arith.addf %add3A_16, %add3A_18 : vector<2000x1xf32>
    %rsqrt3A = math.rsqrt %add3A_19 : vector<2000x1xf32>
    %max3A = arith.constant 0.000000e+00 : f32
    %max3A_20 = vector.broadcast %max3A : f32 to vector<2000x256xf32>
    %max3A_21 = arith.maximumf %add3A_9, %max3A_20 : vector<2000x256xf32>
    %mul3A = vector.broadcast %rsqrt3A : vector<2000x1xf32> to vector<2000x256xf32>
    %mul3A_22 = arith.mulf %max3A_21, %mul3A : vector<2000x256xf32>
    %slice3A = vector.extract_strided_slice %mul3A_22 {offsets = [0, 0], sizes = [2000, 128], strides = [1, 1]} : vector<2000x256xf32> to vector<2000x128xf32>
    %swap3A = arith.constant 0 : index
    %swap3A_23 = arith.constant 0 : index
    %swap3A_24 = arith.constant 0 : index
    %swap3A_25 = vector.load %arg7[%swap3A, %swap3A_23, %swap3A_24] : memref<2x2000x128xf32, #tpu.memory_space<vmem>>, vector<1x2000x128xf32>
    %swap3A_26 = vector.shape_cast %swap3A_25 : vector<1x2000x128xf32> to vector<2000x128xf32>
    %swap3A_27 = vector.shape_cast %slice3A : vector<2000x128xf32> to vector<1x2000x128xf32>
    tpu.vector_store %arg7[%swap3A, %swap3A_23, %swap3A_24], %swap3A_27 {strides = array<i32>} : memref<2x2000x128xf32, #tpu.memory_space<vmem>>, vector<1x2000x128xf32>,
    %slice3A_28 = vector.extract_strided_slice %mul3A_22 {offsets = [0, 128], sizes = [2000, 128], strides = [1, 1]} : vector<2000x256xf32> to vector<2000x128xf32>
    %swap3A_29 = arith.constant 1 : index
    %swap3A_30 = arith.constant 0 : index
    %swap3A_31 = arith.constant 0 : index
    %swap3A_32 = vector.load %arg7[%swap3A_29, %swap3A_30, %swap3A_31] : memref<2x2000x128xf32, #tpu.memory_space<vmem>>, vector<1x2000x128xf32>
    %swap3A_33 = vector.shape_cast %swap3A_32 : vector<1x2000x128xf32> to vector<2000x128xf32>
    %swap3A_34 = vector.shape_cast %slice3A_28 : vector<2000x128xf32> to vector<1x2000x128xf32>
    tpu.vector_store %arg7[%swap3A_29, %swap3A_30, %swap3A_31], %swap3A_34 {strides = array<i32>} : memref<2x2000x128xf32, #tpu.memory_space<vmem>>, vector<1x2000x128xf32>,
    %get3A_35 = arith.constant 0 : index
    %get3A_36 = arith.constant 0 : index
    %get3A_37 = vector.load %arg6[%get3A_35, %get3A_36] : memref<1x256xf32, #tpu.memory_space<vmem>>, vector<1x256xf32>
    %add3A_38 = vector.broadcast %get3A_37 : vector<1x256xf32> to vector<2000x256xf32>
    %add3A_39 = arith.addf %add3A_9, %add3A_38 : vector<2000x256xf32>
    %max3A_40 = arith.constant 0.000000e+00 : f32
    %max3A_41 = vector.broadcast %max3A_40 : f32 to vector<2000x256xf32>
    %max3A_42 = arith.maximumf %add3A_39, %max3A_41 : vector<2000x256xf32>
    %div3A = vector.broadcast %add3A_19 : vector<2000x1xf32> to vector<2000x256xf32>
    %div3A_43 = arith.divf %max3A_42, %div3A : vector<2000x256xf32>
    %swap3A_44 = arith.constant 0 : index
    %swap3A_45 = arith.constant 0 : index
    %swap3A_46 = vector.load %arg8[%swap3A_44, %swap3A_45] : memref<2000x256xf32, #tpu.memory_space<vmem>>, vector<2000x256xf32>
    tpu.vector_store %arg8[%swap3A_44, %swap3A_45], %div3A_43 {strides = array<i32>} : memref<2000x256xf32, #tpu.memory_space<vmem>>, vector<2000x256xf32>,
    %swap3A_47 = arith.constant 0 : index
    %swap3A_48 = arith.constant 0 : index
    %swap3A_49 = vector.load %arg9[%swap3A_47, %swap3A_48] : memref<2000x1xf32, #tpu.memory_space<vmem>>, vector<2000x1xf32>
    tpu.vector_store %arg9[%swap3A_47, %swap3A_48], %rsqrt3A {strides = array<i32>} : memref<2000x1xf32, #tpu.memory_space<vmem>>, vector<2000x1xf32>,
    return
  }
  func.func @transform_0(%arg0: i32) -> (i32, i32) {
    %c0_i32 = arith.constant 0 : i32
    %c0_i32_0 = arith.constant 0 : i32
    return %arg0, %c0_i32 : i32, i32
  }
  func.func @transform_1(%arg0: i32) -> (i32, i32) {
    %c0_i32 = arith.constant 0 : i32
    %c0_i32_0 = arith.constant 0 : i32
    %c0_i32_1 = arith.constant 0 : i32
    return %c0_i32, %c0_i32_0 : i32, i32
  }
  func.func @transform_2(%arg0: i32) -> (i32, i32) {
    %c0_i32 = arith.constant 0 : i32
    %c0_i32_0 = arith.constant 0 : i32
    %c0_i32_1 = arith.constant 0 : i32
    return %c0_i32, %c0_i32_0 : i32, i32
  }
  func.func @transform_3(%arg0: i32) -> (i32, i32) {
    %c0_i32 = arith.constant 0 : i32
    %c0_i32_0 = arith.constant 0 : i32
    return %arg0, %c0_i32 : i32, i32
  }
  func.func @transform_4(%arg0: i32) -> (i32, i32) {
    %c0_i32 = arith.constant 0 : i32
    %c0_i32_0 = arith.constant 0 : i32
    return %arg0, %c0_i32 : i32, i32
  }
  func.func @transform_5(%arg0: i32) -> (i32, i32) {
    %c0_i32 = arith.constant 0 : i32
    %c0_i32_0 = arith.constant 0 : i32
    %c0_i32_1 = arith.constant 0 : i32
    return %c0_i32, %c0_i32_0 : i32, i32
  }
  func.func @transform_6(%arg0: i32) -> (i32, i32, i32) {
    %c0_i32 = arith.constant 0 : i32
    %c0_i32_0 = arith.constant 0 : i32
    %c0_i32_1 = arith.constant 0 : i32
    return %c0_i32, %arg0, %c0_i32_0 : i32, i32, i32
  }
  func.func @transform_7(%arg0: i32) -> (i32, i32) {
    %c0_i32 = arith.constant 0 : i32
    %c0_i32_0 = arith.constant 0 : i32
    return %arg0, %c0_i32 : i32, i32
  }
  func.func @transform_8(%arg0: i32) -> (i32, i32) {
    %c0_i32 = arith.constant 0 : i32
    %c0_i32_0 = arith.constant 0 : i32
    return %arg0, %c0_i32 : i32, i32
  }
}

module attributes {stable_mosaic.version = 14 : i64} {
  func.func @_comb_body(%arg0: i32, %arg1: memref<2x2000x128xf32, #tpu.memory_space<vmem>>, %arg2: memref<2000x1xf32, #tpu.memory_space<vmem>>, %arg3: memref<2000x256xf32, #tpu.memory_space<vmem>>, %arg4: memref<2000x256xf32, #tpu.memory_space<vmem>>) attributes {dimension_semantics = [#tpu.dimension_semantics<arbitrary>], iteration_bounds = array<i64: 5>, scalar_prefetch = 0 : i64, scratch_operands = 0 : i64, tpu.core_type = #tpu.core_type<tc>, window_params = [{transform_indices = @transform_0, window_bounds = array<i64: 2, 2000, 128>}, {transform_indices = @transform_1, window_bounds = array<i64: 2000, 1>}, {transform_indices = @transform_2, window_bounds = array<i64: 2000, 256>}, {transform_indices = @transform_3, window_bounds = array<i64: 2000, 256>}]} {
    %get3A = arith.constant 0 : index
    %get3A_0 = arith.constant 0 : index
    %get3A_1 = arith.constant 0 : index
    %get3A_2 = vector.load %arg1[%get3A, %get3A_0, %get3A_1] : memref<2x2000x128xf32, #tpu.memory_space<vmem>>, vector<2x2000x128xf32>
    %get3A_3 = arith.constant 0 : index
    %get3A_4 = arith.constant 0 : index
    %get3A_5 = vector.load %arg2[%get3A_3, %get3A_4] : memref<2000x1xf32, #tpu.memory_space<vmem>>, vector<2000x1xf32>
    %slice3A = vector.extract_strided_slice %get3A_2 {offsets = [0, 0, 0], sizes = [1, 2000, 128], strides = [1, 1, 1]} : vector<2x2000x128xf32> to vector<1x2000x128xf32>
    %squeeze3A = vector.shape_cast %slice3A : vector<1x2000x128xf32> to vector<2000x128xf32>
    %slice3A_6 = vector.extract_strided_slice %get3A_2 {offsets = [1, 0, 0], sizes = [1, 2000, 128], strides = [1, 1, 1]} : vector<2x2000x128xf32> to vector<1x2000x128xf32>
    %squeeze3A_7 = vector.shape_cast %slice3A_6 : vector<1x2000x128xf32> to vector<2000x128xf32>
    %concatenate3A = tpu.concatenate %squeeze3A, %squeeze3A_7 in 1 : vector<2000x128xf32>, vector<2000x128xf32> -> vector<2000x256xf32>
    %mul3A = vector.broadcast %get3A_5 : vector<2000x1xf32> to vector<2000x256xf32>
    %mul3A_8 = arith.mulf %concatenate3A, %mul3A : vector<2000x256xf32>
    %get3A_9 = arith.constant 0 : index
    %get3A_10 = arith.constant 0 : index
    %get3A_11 = vector.load %arg3[%get3A_9, %get3A_10] : memref<2000x256xf32, #tpu.memory_space<vmem>>, vector<2000x256xf32>
    %add3A = arith.addf %mul3A_8, %get3A_11 : vector<2000x256xf32>
    %swap3A = arith.constant 0 : index
    %swap3A_12 = arith.constant 0 : index
    %swap3A_13 = vector.load %arg4[%swap3A, %swap3A_12] : memref<2000x256xf32, #tpu.memory_space<vmem>>, vector<2000x256xf32>
    tpu.vector_store %arg4[%swap3A, %swap3A_12], %add3A {strides = array<i32>} : memref<2000x256xf32, #tpu.memory_space<vmem>>, vector<2000x256xf32>,
    return
  }
  func.func @transform_0(%arg0: i32) -> (i32, i32, i32) {
    %c0_i32 = arith.constant 0 : i32
    %c0_i32_0 = arith.constant 0 : i32
    %c0_i32_1 = arith.constant 0 : i32
    return %c0_i32, %arg0, %c0_i32_0 : i32, i32, i32
  }
  func.func @transform_1(%arg0: i32) -> (i32, i32) {
    %c0_i32 = arith.constant 0 : i32
    %c0_i32_0 = arith.constant 0 : i32
    return %arg0, %c0_i32 : i32, i32
  }
  func.func @transform_2(%arg0: i32) -> (i32, i32) {
    %c0_i32 = arith.constant 0 : i32
    %c0_i32_0 = arith.constant 0 : i32
    return %arg0, %c0_i32 : i32, i32
  }
  func.func @transform_3(%arg0: i32) -> (i32, i32) {
    %c0_i32 = arith.constant 0 : i32
    %c0_i32_0 = arith.constant 0 : i32
    return %arg0, %c0_i32 : i32, i32
  }
}

</mosaic_0001>

<sc_bundles>
// kernel: kernel.6.cloned.1.call-start
scs
__scs_entry_jumppad:
0x0: {  	(pc) =	sbr.rel $0x88, $3  }
0x1: {  	(tag) =	ssettag $0x0;
	lr =	simm.s32 $0x1  }
0x2: {  	[smem:$0x3F9C] =	sst lr;
	_ =	strace $0xD0000000  }
0x3: {  	_ = 	snop  }
0x4: {  	_ = 	snop  }
0x5: {  	_ = 	snop  }
0x6: {  	_ = 	snop  }
0x7: {  	_ = 	snop  }
__scs_overlays_trampoline_lowered:
0x8: {  	[smem:$0x3FAB] =	sst s0  }
0x9: {  	[smem:$0x3FAC] =	sst s1  }
0xa: {  	[smem:$0x3FAD] =	sst s2  }
0xb: {  	[smem:$0x3FAE] =	sst s3  }
0xc: {  	[smem:$0x3FAF] =	sst s4  }
0xd: {  	[smem:$0x3FB0] =	sst s5  }
0xe: {  	[smem:$0x3FB1] =	sst s6  }
0xf: {  	[smem:$0x3FB2] =	sst s7  }
0x10: {  	[smem:$0x3FB3] =	sst s8  }
0x11: {  	[smem:$0x3FB4] =	sst s9;
	s0 =	simm.s32 @!p0 $0x0  }
0x12: {  	s1 =	sld [smem:$0x3F9A];
	s0 =	simm.s32 @p0 $0x1  }
0x13: {  	[smem:$0x3FB5] =	sst s0;
	s0 =	simm.s32 @!p1 $0x0  }
0x14: {  	s2 =	sld [smem:$0x3F99];
	s0 =	simm.s32 @p1 $0x1  }
0x15: {  	[smem:$0x3FB6] =	sst s0;
	s0 =	simm.s32 @!p2 $0x0  }
0x16: {  	s3 =	sld [smem:$0x3FDB];
	s0 =	simm.s32 @p2 $0x1  }
0x17: {  	s4 =	simm.s32 $0x1BF5;
	[smem:$0x3FB8] =	sst s0  }
0x18: {  	s0 =	sld [smem:$0x3F9B];
	_ =	swait.ge [sflag:s4], $0x0  }
0x19: {  	s7 =	sld [smem:$0x3F9C]  }
0x1a: {  	s8 =	sadd.s32 $0xFFFFE003, lr  }
0x1b: {  	s9 =	sadd.s32 $0xFFFFFEF7, lr;
	s5 =	simm.s32 $0xFFFFFFFF;
	p2 =	slt.u32 s8, $0xFFFFF086  }
0x1c: {  	p1 =	slt.u32 s9, $0xF7A;
	s5 =	simm.s32 @!p2 $0x0  }
0x1d: {  	s5 =	simm.s32 @p1 $0x1;
	p0 =	seq.s32 s7, s2  }
0x1e: {  	s7 =	smul.u32 @!p0 $0xF7A, s2;
	p2 =	seq.s32 @!p0 s5, $0x0  }
0x1f: {  	s9 =	smul.u32 $0xF7A, s1;
	s8 =	simm.s32 @!p0 $0x1BF5;
	p2 =	por !p2, p0  }
0x20: {  	[sflag:s8] =	ssyncset.s32 @!p0 $0xFFFFF086;
	s6 =	sadd.s32 @!p0 s3, s7;
	s7 =	simm.s32 @!p0 $0x108  }
0x21: {  	s3 =	sadd.s32 s3, s9;
	s6 =	sadd.s32 @!p0 $0x88, s6;
	s7 =	simm.s32 @p2 $0x1082  }
0x22: {  	[simem:s7], [sflag:s8] =	dma.local @!p0 [hbm:s6], $0xF7A  }
0x23: {  	s9 =	sor.u32 $0xD0000000, s2;
	s6 =	simm.s32 $0x108;
	_ =	swait.ge @!p0 [sflag:s8], $0x0  }
0x24: {  	s3 =	sadd.s32 $0x88, s3;
	s6 =	simm.s32 @!p1 $0x1082;
	[sflag:s4] =	ssyncset.s32 $0xFFFFF086  }
0x25: {  	[simem:s6], [sflag:s4] =	dma.local [hbm:s3], $0xF7A  }
0x26: {  	[smem:$0x3F9C] =	sst s1;
	(tag) =	ssettag s2;
	_ =	strace s9  }
0x27: {  	s1 =	sld [smem:$0x3FAC]  }
0x28: {  	s2 =	sld [smem:$0x3FAD]  }
0x29: {  	s4 =	sld [smem:$0x3FAF]  }
0x2a: {  	p0 =	seq.s32 s5, $0x0;
	s5 =	sld [smem:$0x3FB0]  }
0x2b: {  	s6 =	sld [smem:$0x3FB1]  }
0x2c: {  	s7 =	sld [smem:$0x3FB2]  }
0x2d: {  	s3 =	simm.s32 $0x108;
	s8 =	sld [smem:$0x3FB3]  }
0x2e: {  	s3 =	simm.s32 @!p0 $0x1082;
	s9 =	sld [smem:$0x3FB4]  }
0x2f: {  	lr =	sadd.s32 s0, s3;
	s0 =	sld [smem:$0x3FAB]  }
0x30: {  	s3 =	sld [smem:$0x3FAE]  }
0x31: {  	[smem:$0x3FB7] =	sst s10  }
0x32: {  	s10 =	sld [smem:$0x3FB5];
	_ =	sdelay $0x3  }
0x33: {  	p0 =	seq.s32 s10, $0x1;
	s10 =	sld [smem:$0x3FB7];
	_ =	sdelay $0x3  }
0x34: {  	[smem:$0x3FB7] =	sst s10  }
0x35: {  	s10 =	sld [smem:$0x3FB6];
	_ =	sdelay $0x3  }
0x36: {  	p1 =	seq.s32 s10, $0x1;
	s10 =	sld [smem:$0x3FB7];
	_ =	sdelay $0x3  }
0x37: {  	[smem:$0x3FB7] =	sst s10  }
0x38: {  	s10 =	sld [smem:$0x3FB8]  }
0x39: {  	_ = 	snop;
	(pc) =	sbr.ind lr, $3  }
0x3a: {  	_ = 	snop  }
0x3b: {  	_ = 	snop  }
0x3c: {  	p2 =	seq.s32 s10, $0x1;
	s10 =	sld [smem:$0x3FB7]  }
0x3d: {  	_ =	shalt  }
0x3e: {  	_ =	shalt  }
0x3f: {  	_ =	shalt  }
0x40: {  	_ =	shalt  }
0x41: {  	_ =	shalt  }
0x42: {  	_ =	shalt  }
0x43: {  	_ =	shalt  }
0x44: {  	_ =	shalt  }
0x45: {  	_ =	shalt  }
0x46: {  	_ =	shalt  }
0x47: {  	_ =	shalt  }
0x48: {  	_ =	shalt  }
0x49: {  	_ =	shalt  }
0x4a: {  	_ =	shalt  }
0x4b: {  	_ =	shalt  }
0x4c: {  	_ =	shalt  }
0x4d: {  	_ =	shalt  }
0x4e: {  	_ =	shalt  }
0x4f: {  	_ =	shalt  }
0x50: {  	_ =	shalt  }
0x51: {  	_ =	shalt  }
0x52: {  	_ =	shalt  }
0x53: {  	_ =	shalt  }
0x54: {  	_ =	shalt  }
0x55: {  	_ =	shalt  }
0x56: {  	_ =	shalt  }
0x57: {  	_ =	shalt  }
0x58: {  	_ =	shalt  }
0x59: {  	_ =	shalt  }
0x5a: {  	_ =	shalt  }
0x5b: {  	_ =	shalt  }
0x5c: {  	_ =	shalt  }
0x5d: {  	_ =	shalt  }
0x5e: {  	_ =	shalt  }
0x5f: {  	_ =	shalt  }
0x60: {  	_ =	shalt  }
0x61: {  	_ =	shalt  }
0x62: {  	_ =	shalt  }
0x63: {  	_ =	shalt  }
0x64: {  	_ =	shalt  }
0x65: {  	_ =	shalt  }
0x66: {  	_ =	shalt  }
0x67: {  	_ =	shalt  }
0x68: {  	_ =	shalt  }
0x69: {  	_ =	shalt  }
0x6a: {  	_ =	shalt  }
0x6b: {  	_ =	shalt  }
0x6c: {  	_ =	shalt  }
0x6d: {  	_ =	shalt  }
0x6e: {  	_ =	shalt  }
0x6f: {  	_ =	shalt  }
0x70: {  	_ =	shalt  }
0x71: {  	_ =	shalt  }
0x72: {  	_ =	shalt  }
0x73: {  	_ =	shalt  }
0x74: {  	_ =	shalt  }
0x75: {  	_ =	shalt  }
0x76: {  	_ =	shalt  }
0x77: {  	_ =	shalt  }
0x78: {  	_ =	shalt  }
0x79: {  	_ =	shalt  }
0x7a: {  	_ =	shalt  }
0x7b: {  	_ =	shalt  }
0x7c: {  	_ =	shalt  }
0x7d: {  	_ =	shalt  }
0x7e: {  	_ =	shalt  }
0x7f: {  	_ =	shalt  }
0x80: {  	_ =	shalt  }
0x81: {  	_ =	shalt  }
0x82: {  	_ =	shalt  }
0x83: {  	_ =	shalt  }
0x84: {  	_ =	shalt  }
0x85: {  	_ =	shalt  }
0x86: {  	_ =	shalt  }
0x87: {  	_ =	shalt  }
.Lfunc_end0:
.L_simem_size_0:
called_computation_lowered:
.L_overlay_start_0:
0x88: {  	s2 =	sld [smem:$0x3FD9]  }
0x89: {  	s3 =	sld [smem:$0x3FFE];
	_ =	sdelay $0x1  }
0x8a: {  	s1 =	srdreg.scid  }
0x8b: {  	s0 =	sand.u32 $0x1, s1  }
0x8c: {  	s17 =	sshll.u32 s0, $0xA;
	s2 =	sadd.s32 s3, s2  }
0x8d: {  	s2 =	sadd.s32 s2, s17  }
0x8e: {  	[smem:$0x3FC3] =	sst s2  }
0x8f: {  	_ = 	snop  }
0x90: {  	s2 =	sld [smem:$0x3FD0];
	(tm) =	ssettm $0x1  }
0x91: {  	s18 =	sld [smem:$0x3FFB];
	_ =	sdelay $0x3  }
0x92: {  	_ =	strace s18  }
0x93: {  	s3 =	sld [smem:$0x3FFC];
	_ =	sdelay $0x3  }
0x94: {  	_ =	strace s3  }
0x95: {  	s3 =	sld [smem:$0x3FFD];
	_ =	sdelay $0x3  }
0x96: {  	_ =	strace s3  }
0x97: {  	_ =	strace $0x8FFFFFFF  }
0x98: {  	s19 =	sld [smem:$0x3FDB];
	_ =	sdelay $0x1  }
0x99: {  	s4 =	simm.s32 $_scs_section_size  }
0x9a: {  	s5 =	simm.s32 $_size__tile_overlayer_lowered;
	s6 =	simm.s32 $_tile_overlayer_lowered  }
0x9b: {  	s22 =	simm.s32 $0x1BFF;
	s21 =	sshll.u32 s6, $0x1;
	s3 =	sadd.s32 s4, s19  }
0x9c: {  	s7 =	simm.s32 $0x0;
	s20 =	sshll.u32 s5, $0x1;
	s5 =	sadd.s32 s21, s3  }
0x9d: {  	[timem:s7], [sflag:s22] =	dma.local [hbm:s5], s20  }
0x9e: {  	_ =	swait.ge [sflag:s22], s20  }
0x9f: {  	s4 =	ssub.s32 $0x0, s20;
	[sflag:s22] =	ssyncset.done $0x0  }
0xa0: {  	[sflag:s22] =	ssyncadd.s32 s4;
	_ =	sdelay $0x1  }
0xa1: {  	s23 =	simm.s32 $0x1B8B  }
0xa2: {  	_ =	swait.ge [sflag:s23], $0x1  }
0xa3: {  	[sflag:s23] =	ssyncset.done $0x0  }
0xa4: {  	s25 =	simm.s32 $0x1B8E;
	s24 =	sld [smem:$0x3FFE];
	[sflag:s23] =	ssyncadd.s32 $0xFFFFFFFF  }
0xa5: {  	s26 =	simm.s32 $execute0_lowered;
	[smem:$0x3FD2] =	sst s25  }
0xa6: {  	s5 =	sshll.u32 s26, $0x1;
	_ =	strace $0x80000046;
	[dreg:$0x1] =	wrdreg $0xFFFFFFFF  }
0xa7: {  	s28 =	simm.s32 $_size_execute0_lowered;
	s3 =	sadd.s32 s3, s5;
	[dreg:$0x0] =	wrdreg $0x0  }
0xa8: {  	s5 =	sshll.u32 s28, $0x1;
	[dreg:$0x2] =	wrdreg s3  }
0xa9: {  	[dreg:$0x3] =	wrdreg s5  }
0xaa: {  	[dreg:$0x4] =	wrdreg $0xC0  }
0xab: {  	_ =	task [dreg:s7], $0x5FFFF  }
0xac: {  	[dreg:$0x1] =	wrdreg $0xFFFFFFFF  }
0xad: {  	[dreg:$0x0] =	wrdreg $0x60  }
0xae: {  	[dreg:$0x2] =	wrdreg s2  }
0xaf: {  	[dreg:$0x3] =	wrdreg s24  }
0xb0: {  	[dreg:$0x4] =	wrdreg $0x43000  }
0xb1: {  	[dreg:$0x5] =	wrdreg $0x9  }
0xb2: {  	_ =	task.clear_ibuf [dreg:s7], $0x6FFFF;
	_ =	strace $0x90000046  }
0xb3: {  	s29 =	simm.s32 $0x9;
	_ =	strace $0x80000048  }
0xb4: {  	_ =	swait.ge [sflag:s29], $0x1  }
0xb5: {  	[sflag:s29] =	ssyncadd.s32 $0xFFFFFFFF  }
0xb6: {  	_ =	strace $0x90000048  }
0xb7: {  	_ =	sfence  }
0xb8: {  	s30 =	sld [smem:$0x0];
	_ =	sdelay $0x2  }
0xb9: {  	s31 =	sshll.u32 s1, $0xD;
	s1 =	sshrl.u32 s1, $0x2  }
0xba: {  	s3 =	sand.u32 $0x4000, s31;
	s1 =	sadd.s32 s1, s30  }
0xbb: {  	s0 =	sor.u32 s3, s0;
	s1 =	sshll.u32 s1, $0x11  }
0xbc: {  	s0 =	sor.u32 s1, s0  }
0xbd: {  	s0 =	sadd.s32 $0x8F2B, s0  }
0xbe: {  	[sflag:s0] =	ssyncadd.remote.s32 $0x1  }
0xbf: {  	_ =	sfence.sel $0xFFFF  }
0xc0: {  	[dreg:$0x0] =	wrdreg $0xFFFFFFFF;
	(pc) =	sbr.abs _section_cstart, $3  }
0xc1: {  	[dreg:$0x1] =	wrdreg $0xFFFFFFFF  }
0xc2: {  	_ =	task.clear_ibuf [dreg:s7], $0x2FFFF;
	_ =	strace $0x9FFFFFFF  }
0xc3: {  	(tm) =	ssettm $0x7FFFFFFF  }
tec
execute0_lowered:
.L_overlay_start_1:
0x0: {  	(tag) =	ssettag $0x1  }
0x1: {  	s4 =	rddreg [dreg:$0x0]  }
0x2: {  	s1 =	srdreg.scid;
	s5 =	rddreg [dreg:$0x1]  }
0x3: {  	s0 =	stileid.u32;
	s2 =	rddreg [dreg:$0x2];
	s3 =	simm.s32 $0x0  }
0x4: {  	s11 =	simm.s32 $0x4000;
	s6 =	sand.u32 $0x1, s1;
	s1 =	rddreg [dreg:$0x3]  }
0x5: {  	s12 =	simm.s32 $0x0;
	s7 =	smul.u32 $0x280, s0;
	[smem:$0x7FF] =	sst s3  }
0x6: {  	s10 =	sshll.u32 s0, $0xB;
	s8 =	smul.u32 $0x2800, s6;
	_ =	strace $0x80000047  }
0x7: {  	s9 =	ssub.s32 $0x2, s6;
	s31 =	sshll.u32 s6, $0xF;
	s4 =	sadd.s32 s4, s10  }
0x8: {  	s10 =	simm.s32 $0x28;
	s30 =	sshrl.u32 s9, $0x1;
	s8 =	sadd.s32 s7, s8  }
0x9: {  	s4 =	sadd.s32 s31, s4;
	s9 =	ssub.s32 s9, s30;
	s8 =	sshrl.u32 s8, $0x3  }
0xa: {  	s8 =	sadd.s32 s8, s5;
	s5 =	sadd.s32 s7, s2;
	s7 =	smax.u32 s9, $0x1  }
0xb: {  	v0 =	vimm.f32 $1.000000000e+00;
	v1 =	vimm.f32 $0.0e+00;
	s9 =	simm.s32 $0x4080;
	s6 =	sadd.s32 $0x1000, s8;
	s8 =	simm.s32 $0x1  }
.LBB2_1:
0xc: {  	[tilespmem:s3], [sflag:$0x1] =	stream.linear.gather [hbm4b:s4+s3], $0x3E80, $0x38;
	[tilespmem:$0x4580] =	vst v63  }
0xd: {  	_ =	swait.ge [sflag:s8], $0x3E80  }
0xe: {  	[sflag:s8] =	ssyncset.done $0x0  }
0xf: {  	[sflag:s8] =	ssyncadd.s32 $0xFFFFC180  }
0x10: {  	[tilespmem:$0x4000] =	vst v0  }
0x11: {  	[tilespmem:$0x4010] =	vst v0  }
0x12: {  	[tilespmem:$0x4020] =	vst v0  }
0x13: {  	[tilespmem:$0x4080] =	vst v1  }
0x14: {  	[tilespmem:$0x4090] =	vst v1  }
0x15: {  	[tilespmem:$0x40A0] =	vst v1  }
0x16: {  	[tilespmem:$0x40B0] =	vst v1  }
0x17: {  	[tilespmem:$0x40C0] =	vst v1  }
0x18: {  	[tilespmem:$0x40D0] =	vst v1  }
0x19: {  	[tilespmem:$0x40E0] =	vst v1  }
0x1a: {  	[tilespmem:$0x40F0] =	vst v1  }
0x1b: {  	[tilespmem:$0x4100] =	vst v1  }
0x1c: {  	[tilespmem:$0x4110] =	vst v1  }
0x1d: {  	[tilespmem:$0x4120] =	vst v1  }
0x1e: {  	[tilespmem:$0x4130] =	vst v1  }
0x1f: {  	[tilespmem:$0x4140] =	vst v1  }
0x20: {  	[tilespmem:$0x4150] =	vst v1  }
0x21: {  	[tilespmem:$0x4160] =	vst v1  }
0x22: {  	[tilespmem:$0x4170] =	vst v1  }
0x23: {  	[tilespmem:$0x4180] =	vst v1  }
0x24: {  	[tilespmem:$0x4190] =	vst v1  }
0x25: {  	[tilespmem:$0x41A0] =	vst v1  }
0x26: {  	[tilespmem:$0x41B0] =	vst v1  }
0x27: {  	[tilespmem:$0x41C0] =	vst v1  }
0x28: {  	[tilespmem:$0x41D0] =	vst v1  }
0x29: {  	[tilespmem:$0x41E0] =	vst v1  }
0x2a: {  	[tilespmem:$0x41F0] =	vst v1  }
0x2b: {  	[tilespmem:$0x4200] =	vst v1  }
0x2c: {  	[tilespmem:$0x4210] =	vst v1  }
0x2d: {  	[tilespmem:$0x4220] =	vst v1  }
0x2e: {  	[tilespmem:$0x4230] =	vst v1  }
0x2f: {  	[tilespmem:$0x4240] =	vst v1  }
0x30: {  	[tilespmem:$0x4250] =	vst v1  }
0x31: {  	[tilespmem:$0x4260] =	vst v1  }
0x32: {  	[tilespmem:$0x4270] =	vst v1  }
0x33: {  	[tilespmem:$0x4280] =	vst v1  }
0x34: {  	[tilespmem:$0x4290] =	vst v1  }
0x35: {  	[tilespmem:$0x42A0] =	vst v1  }
0x36: {  	[tilespmem:$0x42B0] =	vst v1  }
0x37: {  	[tilespmem:$0x42C0] =	vst v1  }
0x38: {  	[tilespmem:$0x42D0] =	vst v1  }
0x39: {  	[tilespmem:$0x42E0] =	vst v1  }
0x3a: {  	[tilespmem:$0x42F0] =	vst v1  }
0x3b: {  	[spmem:s5] =	stream.linear.scatter [tilespmem:s9], [sflag:$0x1], $0x280, $0x38;
	[tilespmem:$0x4580] =	vst v63  }
0x3c: {  	_ =	swait.ge [sflag:s8], $0x280  }
0x3d: {  	[sflag:s8] =	ssyncset.done $0x0  }
0x3e: {  	[sflag:s8] =	ssyncadd.s32 $0xFFFFFD80  }
0x3f: {  	s13 =	simm.s32 $0x0;
	[bflag:$0x0] =	sbarrier.arrive $0xFFFF  }
0x40: {  	[spmem:s2] =	stream.indirect.scatter.add.f32 [tilespmem:s11], [sflag:$0x1], $0x1, s13, s10, $0xb8;
	[tilespmem:$0x4580] =	vst v63  }
0x41: {  	_ =	swait.ge [sflag:s8], $0x28  }
0x42: {  	s13 =	simm.s32 $0x200;
	[sflag:s8] =	ssyncset.done $0x0  }
.LBB2_2:
0x43: {  	s14 =	sshra.s32 s13, $0x2;
	[sflag:s8] =	ssyncadd.s32 $0xFFFFFFD8;
	p0 =	sne.s32 s13, $0xF800  }
0x44: {  	[spmem:s2] =	stream.indirect.scatter.add.f32 [tilespmem:s11], [sflag:$0x1], $0x1, s14, s10, $0xb8;
	[tilespmem:$0x4580] =	vst v63  }
.Ltmp0:
0x45: {  	_ = 	snop;
	(pc) =	sbr.rel @p0 .LBB2_2-.Ltmp0, $4  }
0x46: {  	_ = 	snop  }
0x47: {  	s13 =	sadd.s32 $0x200, s13  }
0x48: {  	_ =	swait.ge [sflag:s8], $0x28  }
0x49: {  	[sflag:s8] =	ssyncset.done $0x0  }
0x4a: {  	[sflag:s8] =	ssyncadd.s32 $0xFFFFFFD8  }
0x4b: {  	[bflag:$0x0] =	sbarrier.arrive $0xFFFF  }
0x4c: {  	[tilespmem:s9], [sflag:$0x1] =	stream.linear.gather [spmem:s5], $0x280, $0x38;
	[tilespmem:$0x4580] =	vst v63  }
0x4d: {  	s12 =	sadd.s32 $0x1, s12;
	_ =	swait.ge [sflag:s8], $0x280  }
0x4e: {  	p0 =	sne.s32 s12, s7;
	[sflag:s8] =	ssyncset.done $0x0  }
.Ltmp1:
0x4f: {  	[sflag:s8] =	ssyncadd.s32 $0xFFFFFD80;
	(pc) =	sbr.rel @p0 .LBB2_1-.Ltmp1, $4  }
0x50: {  	[hbm4b:s6+s3] =	stream.linear.scatter [tilespmem:s9], [sflag:$0x1], $0x280, $0x38;
	[tilespmem:$0x4580] =	vst v63  }
0x51: {  	_ =	swait.ge [sflag:s8], $0x280  }
0x52: {  	[sflag:s8] =	ssyncset.done $0x0  }
0x53: {  	[sflag:s8] =	ssyncadd.s32 $0xFFFFFD80  }
0x54: {  	_ =	sfence.sel $0x180000  }
0x55: {  	[bflag:$0x0] =	sbarrier.arrive $0xFFFF  }
0x56: {  	p0 =	sne.s32 s0, $0x0;
	_ =	strace $0x90000047  }
0x57: {  	s0 =	sadd.s32 @!p0 $0x100000, s1;
	[bflag:$0x2] =	sbarrier.arrive $0xFFFF  }
0x58: {  	[sflag:s0] =	ssyncadd.tile.s32 @!p0 $0x1;
	_ =	shalt  }
.Lfunc_end2:
_tile_overlayer_lowered:
.L_overlay_start_2:
0x59: {  	(tag) =	ssettag $0x2  }
0x5a: {  	s0 =	rddreg [dreg:$0x0];
	s2 =	stileid.u32  }
0x5b: {  	s1 =	rddreg [dreg:$0x1];
	p0 =	sne.s32 s2, $0x0  }
0x5c: {  	s3 =	rddreg [dreg:$0x2];
	[bflag:$0x3] =	sbarrier.arrive $0xFFFF;
	s2 =	simm.s32 @!p0 $0x1C01  }
0x5d: {  	[timem:s3], [sflag:s2] =	dma.local @!p0 [hbm:s0], s1  }
0x5e: {  	s0 =	simm.s32 @!p0 $0x1  }
0x5f: {  	_ =	swait.ge @!p0 [sflag:s0], s1  }
0x60: {  	s1 =	ssub.s32 @!p0 $0x0, s1;
	[sflag:s0] =	ssyncset.done @!p0 $0x0  }
0x61: {  	[sflag:s0] =	ssyncadd.s32 @!p0 s1  }
0x62: {  	[bflag:$0x3] =	sbarrier.arrive $0xFFFF  }
0x63: {  	_ =	shalt  }

// kernel: kernel.9.cloned.1.call-start
scs
__scs_entry_jumppad:
0x0: {  	(pc) =	sbr.rel $0x88, $3  }
0x1: {  	(tag) =	ssettag $0x0;
	lr =	simm.s32 $0x1  }
0x2: {  	[smem:$0x3F9C] =	sst lr;
	_ =	strace $0xD0000000  }
0x3: {  	_ = 	snop  }
0x4: {  	_ = 	snop  }
0x5: {  	_ = 	snop  }
0x6: {  	_ = 	snop  }
0x7: {  	_ = 	snop  }
__scs_overlays_trampoline_lowered:
0x8: {  	[smem:$0x3FAB] =	sst s0  }
0x9: {  	[smem:$0x3FAC] =	sst s1  }
0xa: {  	[smem:$0x3FAD] =	sst s2  }
0xb: {  	[smem:$0x3FAE] =	sst s3  }
0xc: {  	[smem:$0x3FAF] =	sst s4  }
0xd: {  	[smem:$0x3FB0] =	sst s5  }
0xe: {  	[smem:$0x3FB1] =	sst s6  }
0xf: {  	[smem:$0x3FB2] =	sst s7  }
0x10: {  	[smem:$0x3FB3] =	sst s8  }
0x11: {  	[smem:$0x3FB4] =	sst s9;
	s0 =	simm.s32 @!p0 $0x0  }
0x12: {  	s1 =	sld [smem:$0x3F9A];
	s0 =	simm.s32 @p0 $0x1  }
0x13: {  	[smem:$0x3FB5] =	sst s0;
	s0 =	simm.s32 @!p1 $0x0  }
0x14: {  	s2 =	sld [smem:$0x3F99];
	s0 =	simm.s32 @p1 $0x1  }
0x15: {  	[smem:$0x3FB6] =	sst s0;
	s0 =	simm.s32 @!p2 $0x0  }
0x16: {  	s3 =	sld [smem:$0x3FDB];
	s0 =	simm.s32 @p2 $0x1  }
0x17: {  	s4 =	simm.s32 $0x1BF5;
	[smem:$0x3FB8] =	sst s0  }
0x18: {  	s0 =	sld [smem:$0x3F9B];
	_ =	swait.ge [sflag:s4], $0x0  }
0x19: {  	s7 =	sld [smem:$0x3F9C]  }
0x1a: {  	s8 =	sadd.s32 $0xFFFFE003, lr  }
0x1b: {  	s9 =	sadd.s32 $0xFFFFFEF7, lr;
	s5 =	simm.s32 $0xFFFFFFFF;
	p2 =	slt.u32 s8, $0xFFFFF086  }
0x1c: {  	p1 =	slt.u32 s9, $0xF7A;
	s5 =	simm.s32 @!p2 $0x0  }
0x1d: {  	s5 =	simm.s32 @p1 $0x1;
	p0 =	seq.s32 s7, s2  }
0x1e: {  	s7 =	smul.u32 @!p0 $0xF7A, s2;
	p2 =	seq.s32 @!p0 s5, $0x0  }
0x1f: {  	s9 =	smul.u32 $0xF7A, s1;
	s8 =	simm.s32 @!p0 $0x1BF5;
	p2 =	por !p2, p0  }
0x20: {  	[sflag:s8] =	ssyncset.s32 @!p0 $0xFFFFF086;
	s6 =	sadd.s32 @!p0 s3, s7;
	s7 =	simm.s32 @!p0 $0x108  }
0x21: {  	s3 =	sadd.s32 s3, s9;
	s6 =	sadd.s32 @!p0 $0x88, s6;
	s7 =	simm.s32 @p2 $0x1082  }
0x22: {  	[simem:s7], [sflag:s8] =	dma.local @!p0 [hbm:s6], $0xF7A  }
0x23: {  	s9 =	sor.u32 $0xD0000000, s2;
	s6 =	simm.s32 $0x108;
	_ =	swait.ge @!p0 [sflag:s8], $0x0  }
0x24: {  	s3 =	sadd.s32 $0x88, s3;
	s6 =	simm.s32 @!p1 $0x1082;
	[sflag:s4] =	ssyncset.s32 $0xFFFFF086  }
0x25: {  	[simem:s6], [sflag:s4] =	dma.local [hbm:s3], $0xF7A  }
0x26: {  	[smem:$0x3F9C] =	sst s1;
	(tag) =	ssettag s2;
	_ =	strace s9  }
0x27: {  	s1 =	sld [smem:$0x3FAC]  }
0x28: {  	s2 =	sld [smem:$0x3FAD]  }
0x29: {  	s4 =	sld [smem:$0x3FAF]  }
0x2a: {  	p0 =	seq.s32 s5, $0x0;
	s5 =	sld [smem:$0x3FB0]  }
0x2b: {  	s6 =	sld [smem:$0x3FB1]  }
0x2c: {  	s7 =	sld [smem:$0x3FB2]  }
0x2d: {  	s3 =	simm.s32 $0x108;
	s8 =	sld [smem:$0x3FB3]  }
0x2e: {  	s3 =	simm.s32 @!p0 $0x1082;
	s9 =	sld [smem:$0x3FB4]  }
0x2f: {  	lr =	sadd.s32 s0, s3;
	s0 =	sld [smem:$0x3FAB]  }
0x30: {  	s3 =	sld [smem:$0x3FAE]  }
0x31: {  	[smem:$0x3FB7] =	sst s10  }
0x32: {  	s10 =	sld [smem:$0x3FB5];
	_ =	sdelay $0x3  }
0x33: {  	p0 =	seq.s32 s10, $0x1;
	s10 =	sld [smem:$0x3FB7];
	_ =	sdelay $0x3  }
0x34: {  	[smem:$0x3FB7] =	sst s10  }
0x35: {  	s10 =	sld [smem:$0x3FB6];
	_ =	sdelay $0x3  }
0x36: {  	p1 =	seq.s32 s10, $0x1;
	s10 =	sld [smem:$0x3FB7];
	_ =	sdelay $0x3  }
0x37: {  	[smem:$0x3FB7] =	sst s10  }
0x38: {  	s10 =	sld [smem:$0x3FB8]  }
0x39: {  	_ = 	snop;
	(pc) =	sbr.ind lr, $3  }
0x3a: {  	_ = 	snop  }
0x3b: {  	_ = 	snop  }
0x3c: {  	p2 =	seq.s32 s10, $0x1;
	s10 =	sld [smem:$0x3FB7]  }
0x3d: {  	_ =	shalt  }
0x3e: {  	_ =	shalt  }
0x3f: {  	_ =	shalt  }
0x40: {  	_ =	shalt  }
0x41: {  	_ =	shalt  }
0x42: {  	_ =	shalt  }
0x43: {  	_ =	shalt  }
0x44: {  	_ =	shalt  }
0x45: {  	_ =	shalt  }
0x46: {  	_ =	shalt  }
0x47: {  	_ =	shalt  }
0x48: {  	_ =	shalt  }
0x49: {  	_ =	shalt  }
0x4a: {  	_ =	shalt  }
0x4b: {  	_ =	shalt  }
0x4c: {  	_ =	shalt  }
0x4d: {  	_ =	shalt  }
0x4e: {  	_ =	shalt  }
0x4f: {  	_ =	shalt  }
0x50: {  	_ =	shalt  }
0x51: {  	_ =	shalt  }
0x52: {  	_ =	shalt  }
0x53: {  	_ =	shalt  }
0x54: {  	_ =	shalt  }
0x55: {  	_ =	shalt  }
0x56: {  	_ =	shalt  }
0x57: {  	_ =	shalt  }
0x58: {  	_ =	shalt  }
0x59: {  	_ =	shalt  }
0x5a: {  	_ =	shalt  }
0x5b: {  	_ =	shalt  }
0x5c: {  	_ =	shalt  }
0x5d: {  	_ =	shalt  }
0x5e: {  	_ =	shalt  }
0x5f: {  	_ =	shalt  }
0x60: {  	_ =	shalt  }
0x61: {  	_ =	shalt  }
0x62: {  	_ =	shalt  }
0x63: {  	_ =	shalt  }
0x64: {  	_ =	shalt  }
0x65: {  	_ =	shalt  }
0x66: {  	_ =	shalt  }
0x67: {  	_ =	shalt  }
0x68: {  	_ =	shalt  }
0x69: {  	_ =	shalt  }
0x6a: {  	_ =	shalt  }
0x6b: {  	_ =	shalt  }
0x6c: {  	_ =	shalt  }
0x6d: {  	_ =	shalt  }
0x6e: {  	_ =	shalt  }
0x6f: {  	_ =	shalt  }
0x70: {  	_ =	shalt  }
0x71: {  	_ =	shalt  }
0x72: {  	_ =	shalt  }
0x73: {  	_ =	shalt  }
0x74: {  	_ =	shalt  }
0x75: {  	_ =	shalt  }
0x76: {  	_ =	shalt  }
0x77: {  	_ =	shalt  }
0x78: {  	_ =	shalt  }
0x79: {  	_ =	shalt  }
0x7a: {  	_ =	shalt  }
0x7b: {  	_ =	shalt  }
0x7c: {  	_ =	shalt  }
0x7d: {  	_ =	shalt  }
0x7e: {  	_ =	shalt  }
0x7f: {  	_ =	shalt  }
0x80: {  	_ =	shalt  }
0x81: {  	_ =	shalt  }
0x82: {  	_ =	shalt  }
0x83: {  	_ =	shalt  }
0x84: {  	_ =	shalt  }
0x85: {  	_ =	shalt  }
0x86: {  	_ =	shalt  }
0x87: {  	_ =	shalt  }
.Lfunc_end0:
.L_simem_size_0:
called_computation.1_lowered:
.L_overlay_start_0:
0x88: {  	s2 =	sld [smem:$0x3FD9]  }
0x89: {  	s3 =	sld [smem:$0x3FFE];
	_ =	sdelay $0x1  }
0x8a: {  	s1 =	srdreg.scid  }
0x8b: {  	s0 =	sand.u32 $0x1, s1  }
0x8c: {  	s17 =	sshll.u32 s0, $0xA;
	s2 =	sadd.s32 s3, s2  }
0x8d: {  	s2 =	sadd.s32 s2, s17  }
0x8e: {  	[smem:$0x3FC3] =	sst s2  }
0x8f: {  	_ = 	snop  }
0x90: {  	s2 =	sld [smem:$0x3FD0];
	(tm) =	ssettm $0x1  }
0x91: {  	s18 =	sld [smem:$0x3FFB];
	_ =	sdelay $0x3  }
0x92: {  	_ =	strace s18  }
0x93: {  	s3 =	sld [smem:$0x3FFC];
	_ =	sdelay $0x3  }
0x94: {  	_ =	strace s3  }
0x95: {  	s3 =	sld [smem:$0x3FFD];
	_ =	sdelay $0x3  }
0x96: {  	_ =	strace s3  }
0x97: {  	_ =	strace $0x8FFFFFFF  }
0x98: {  	s19 =	sld [smem:$0x3FDB];
	_ =	sdelay $0x1  }
0x99: {  	s4 =	simm.s32 $_scs_section_size  }
0x9a: {  	s5 =	simm.s32 $_size__tile_overlayer_lowered;
	s6 =	simm.s32 $_tile_overlayer_lowered  }
0x9b: {  	s22 =	simm.s32 $0x1BFF;
	s21 =	sshll.u32 s6, $0x1;
	s3 =	sadd.s32 s4, s19  }
0x9c: {  	s7 =	simm.s32 $0x0;
	s20 =	sshll.u32 s5, $0x1;
	s5 =	sadd.s32 s21, s3  }
0x9d: {  	[timem:s7], [sflag:s22] =	dma.local [hbm:s5], s20  }
0x9e: {  	_ =	swait.ge [sflag:s22], s20  }
0x9f: {  	s4 =	ssub.s32 $0x0, s20;
	[sflag:s22] =	ssyncset.done $0x0  }
0xa0: {  	[sflag:s22] =	ssyncadd.s32 s4;
	_ =	sdelay $0x1  }
0xa1: {  	s23 =	simm.s32 $0x1B8B  }
0xa2: {  	_ =	swait.ge [sflag:s23], $0x1  }
0xa3: {  	[sflag:s23] =	ssyncset.done $0x0  }
0xa4: {  	s25 =	simm.s32 $0x1B8E;
	s24 =	sld [smem:$0x3FFE];
	[sflag:s23] =	ssyncadd.s32 $0xFFFFFFFF  }
0xa5: {  	s26 =	simm.s32 $execute0_lowered;
	[smem:$0x3FD2] =	sst s25  }
0xa6: {  	s5 =	sshll.u32 s26, $0x1;
	_ =	strace $0x80000049;
	[dreg:$0x1] =	wrdreg $0xFFFFFFFF  }
0xa7: {  	s28 =	simm.s32 $_size_execute0_lowered;
	s3 =	sadd.s32 s3, s5;
	[dreg:$0x0] =	wrdreg $0x0  }
0xa8: {  	s5 =	sshll.u32 s28, $0x1;
	[dreg:$0x2] =	wrdreg s3  }
0xa9: {  	[dreg:$0x3] =	wrdreg s5  }
0xaa: {  	[dreg:$0x4] =	wrdreg $0xC0  }
0xab: {  	_ =	task [dreg:s7], $0x5FFFF  }
0xac: {  	[dreg:$0x1] =	wrdreg $0xFFFFFFFF  }
0xad: {  	[dreg:$0x0] =	wrdreg $0x60  }
0xae: {  	[dreg:$0x2] =	wrdreg s2  }
0xaf: {  	[dreg:$0x3] =	wrdreg s24  }
0xb0: {  	[dreg:$0x4] =	wrdreg $0xB7800  }
0xb1: {  	[dreg:$0x5] =	wrdreg $0x9  }
0xb2: {  	_ =	task.clear_ibuf [dreg:s7], $0x6FFFF;
	_ =	strace $0x90000049  }
0xb3: {  	s29 =	simm.s32 $0x9;
	_ =	strace $0x8000004B  }
0xb4: {  	_ =	swait.ge [sflag:s29], $0x1  }
0xb5: {  	[sflag:s29] =	ssyncadd.s32 $0xFFFFFFFF  }
0xb6: {  	_ =	strace $0x9000004B  }
0xb7: {  	_ =	sfence  }
0xb8: {  	s30 =	sld [smem:$0x0];
	_ =	sdelay $0x2  }
0xb9: {  	s31 =	sshll.u32 s1, $0xD;
	s1 =	sshrl.u32 s1, $0x2  }
0xba: {  	s3 =	sand.u32 $0x4000, s31;
	s1 =	sadd.s32 s1, s30  }
0xbb: {  	s0 =	sor.u32 s3, s0;
	s1 =	sshll.u32 s1, $0x11  }
0xbc: {  	s0 =	sor.u32 s1, s0  }
0xbd: {  	s0 =	sadd.s32 $0x8F2B, s0  }
0xbe: {  	[sflag:s0] =	ssyncadd.remote.s32 $0x1  }
0xbf: {  	_ =	sfence.sel $0xFFFF  }
0xc0: {  	[dreg:$0x0] =	wrdreg $0xFFFFFFFF;
	(pc) =	sbr.abs _section_cstart, $3  }
0xc1: {  	[dreg:$0x1] =	wrdreg $0xFFFFFFFF  }
0xc2: {  	_ =	task.clear_ibuf [dreg:s7], $0x2FFFF;
	_ =	strace $0x9FFFFFFF  }
0xc3: {  	(tm) =	ssettm $0x7FFFFFFF  }
tec
execute0_lowered:
.L_overlay_start_1:
0x0: {  	(tag) =	ssettag $0x1  }
0x1: {  	s0 =	rddreg [dreg:$0x0]  }
0x2: {  	s1 =	rddreg [dreg:$0x1];
	s8 =	stileid.u32  }
0x3: {  	s2 =	rddreg [dreg:$0x2];
	s5 =	srdreg.scid;
	s19 =	simm.s32 $0x5  }
0x4: {  	s20 =	simm.s32 $0x2780;
	s21 =	simm.s32 $0x6780;
	s28 =	simm.s32 $0x3  }
0x5: {  	s29 =	simm.s32 $0xA0;
	s30 =	simm.s32 $0x4;
	s31 =	simm.s32 $0x6580  }
0x6: {  	s3 =	sshrl.u32 s8, $0x3;
	s22 =	sshll.u32 s8, $0x7;
	s23 =	smul.u32 $0x14000, s8  }
0x7: {  	s11 =	sand.u32 $0x1, s5;
	s7 =	sshll.u32 s8, $0xB;
	s24 =	smul.u32 $0x50000, s8  }
0x8: {  	s4 =	smul.u32 $0x13C00, s3;
	s6 =	sand.u32 $0x380, s22;
	s3 =	simm.s32 $0x0  }
0x9: {  	s5 =	smul.u32 $0x140000, s11;
	s7 =	sadd.s32 s7, s1;
	s25 =	ssub.s32 $0x2, s11  }
0xa: {  	s14 =	smul.u32 $0x27100, s11;
	s22 =	simm.s32 $0x50;
	[smem:$0x7FF] =	sst s3  }
0xb: {  	s26 =	sshrl.u32 s25, $0x1;
	s4 =	sor.u32 s6, s4;
	_ =	strace $0x8000004A  }
0xc: {  	s5 =	sadd.s32 s23, s5;
	s6 =	sshrl.u32 s24, $0x2;
	s16 =	ssub.s32 s25, s26  }
0xd: {  	s14 =	sadd.s32 s0, s14;
	s23 =	simm.s32 $0x1;
	s24 =	simm.s32 $0x8F80  }
0xe: {  	s25 =	simm.s32 $0x2;
	s4 =	sshrl.u32 s4, $0x3;
	s5 =	sshrl.u32 s5, $0x3  }
0xf: {  	s16 =	smax.u32 s16, $0x1;
	s4 =	sadd.s32 s4, s1;
	s1 =	sadd.s32 s5, s1  }
0x10: {  	s5 =	sadd.s32 s6, s2;
	s6 =	sadd.s32 $0x6A00, s7;
	s4 =	sadd.s32 $0x1A00, s4  }
0x11: {  	s7 =	sadd.s32 $0x2800, s5;
	s8 =	sadd.s32 $0x5000, s5;
	s9 =	sadd.s32 $0x7800, s5  }
0x12: {  	s10 =	sadd.s32 $0xA000, s5;
	s11 =	sadd.s32 $0xC800, s5;
	s12 =	sadd.s32 $0xF000, s5  }
0x13: {  	v0 =	vimm.f32 $0.0e+00;
	s13 =	sadd.s32 $0x11800, s5;
	s15 =	sadd.s32 $0x5CC00, s1;
	s1 =	simm.s32 $0x0  }
.LBB2_1:
0x14: {  	s0 =	simm.s32 $0x80;
	s17 =	simm.s32 $0x400  }
0x15: {  	[tilespmem:s3], [sflag:$0x5] =	stream.strided.gather [hbm4b:s4+s0], $0x2780, s17, s0, $0x38;
	[tilespmem:$0x1F780] =	vst v63  }
0x16: {  	_ =	swait.ge [sflag:s19], $0x2780  }
0x17: {  	[sflag:s19] =	ssyncset.done $0x0  }
0x18: {  	[sflag:s19] =	ssyncadd.s32 $0xFFFFD880  }
0x19: {  	[tilespmem:s20], [sflag:$0x5] =	stream.linear.gather [hbm4b:s6+s3], $0x3E80, $0x38;
	[tilespmem:$0x1F780] =	vst v63  }
0x1a: {  	_ =	swait.ge [sflag:s19], $0x3E80  }
0x1b: {  	[sflag:s19] =	ssyncset.done $0x0  }
0x1c: {  	s0 =	simm.s32 $0x0;
	s17 =	simm.s32 $0x200;
	[sflag:s19] =	ssyncadd.s32 $0xFFFFC180  }
.LBB2_2:
0x1d: {  	p0 =	sne.s32 s17, $0x9E00;
	[tilespmem:s0+$0x67F0] =	vst v0  }
0x1e: {  	[tilespmem:s0+$0x6780] =	vst v0  }
0x1f: {  	[tilespmem:s0+$0x6790] =	vst v0  }
.Ltmp0:
0x20: {  	[tilespmem:s0+$0x67A0] =	vst v0;
	(pc) =	sbr.rel @p0 .LBB2_2-.Ltmp0, $4  }
0x21: {  	[tilespmem:s0+$0x67B0] =	vst v0  }
0x22: {  	[tilespmem:s0+$0x67C0] =	vst v0  }
0x23: {  	[tilespmem:s0+$0x67D0] =	vst v0  }
0x24: {  	[tilespmem:s0+$0x67E0] =	vst v0;
	s0 =	sshra.s32 s17, $0x2;
	s17 =	sadd.s32 $0x200, s17  }
0x25: {  	[tilespmem:s0+$0x67F0] =	vst v0  }
0x26: {  	[tilespmem:s0+$0x6780] =	vst v0  }
0x27: {  	[tilespmem:s0+$0x6790] =	vst v0  }
0x28: {  	[tilespmem:s0+$0x67A0] =	vst v0  }
0x29: {  	[tilespmem:s0+$0x67B0] =	vst v0  }
0x2a: {  	[tilespmem:s0+$0x67C0] =	vst v0  }
0x2b: {  	[tilespmem:s0+$0x67D0] =	vst v0  }
0x2c: {  	[tilespmem:s0+$0x67E0] =	vst v0  }
0x2d: {  	[spmem:s5] =	stream.linear.scatter [tilespmem:s21], [sflag:$0x5], $0x2800, $0x38;
	[tilespmem:$0x1F780] =	vst v63  }
0x2e: {  	_ =	swait.ge [sflag:s19], $0x2800  }
0x2f: {  	[sflag:s19] =	ssyncset.done $0x0  }
0x30: {  	[sflag:s19] =	ssyncadd.s32 $0xFFFFD800  }
0x31: {  	[spmem:s7] =	stream.linear.scatter [tilespmem:s21], [sflag:$0x5], $0x2800, $0x38;
	[tilespmem:$0x1F780] =	vst v63  }
0x32: {  	_ =	swait.ge [sflag:s19], $0x2800  }
0x33: {  	[sflag:s19] =	ssyncset.done $0x0  }
0x34: {  	[sflag:s19] =	ssyncadd.s32 $0xFFFFD800  }
0x35: {  	[spmem:s8] =	stream.linear.scatter [tilespmem:s21], [sflag:$0x5], $0x2800, $0x38;
	[tilespmem:$0x1F780] =	vst v63  }
0x36: {  	_ =	swait.ge [sflag:s19], $0x2800  }
0x37: {  	[sflag:s19] =	ssyncset.done $0x0  }
0x38: {  	[sflag:s19] =	ssyncadd.s32 $0xFFFFD800  }
0x39: {  	[spmem:s9] =	stream.linear.scatter [tilespmem:s21], [sflag:$0x5], $0x2800, $0x38;
	[tilespmem:$0x1F780] =	vst v63  }
0x3a: {  	_ =	swait.ge [sflag:s19], $0x2800  }
0x3b: {  	[sflag:s19] =	ssyncset.done $0x0  }
0x3c: {  	[sflag:s19] =	ssyncadd.s32 $0xFFFFD800  }
0x3d: {  	[spmem:s10] =	stream.linear.scatter [tilespmem:s21], [sflag:$0x5], $0x2800, $0x38;
	[tilespmem:$0x1F780] =	vst v63  }
0x3e: {  	_ =	swait.ge [sflag:s19], $0x2800  }
0x3f: {  	[sflag:s19] =	ssyncset.done $0x0  }
0x40: {  	[sflag:s19] =	ssyncadd.s32 $0xFFFFD800  }
0x41: {  	[spmem:s11] =	stream.linear.scatter [tilespmem:s21], [sflag:$0x5], $0x2800, $0x38;
	[tilespmem:$0x1F780] =	vst v63  }
0x42: {  	_ =	swait.ge [sflag:s19], $0x2800  }
0x43: {  	[sflag:s19] =	ssyncset.done $0x0  }
0x44: {  	[sflag:s19] =	ssyncadd.s32 $0xFFFFD800  }
0x45: {  	[spmem:s12] =	stream.linear.scatter [tilespmem:s21], [sflag:$0x5], $0x2800, $0x38;
	[tilespmem:$0x1F780] =	vst v63  }
0x46: {  	_ =	swait.ge [sflag:s19], $0x2800  }
0x47: {  	[sflag:s19] =	ssyncset.done $0x0  }
0x48: {  	[sflag:s19] =	ssyncadd.s32 $0xFFFFD800  }
0x49: {  	[spmem:s13] =	stream.linear.scatter [tilespmem:s21], [sflag:$0x5], $0x2800, $0x38;
	[tilespmem:$0x1F780] =	vst v63  }
0x4a: {  	_ =	swait.ge [sflag:s19], $0x2800  }
0x4b: {  	[sflag:s19] =	ssyncset.done $0x0  }
0x4c: {  	[sflag:s19] =	ssyncadd.s32 $0xFFFFD800  }
0x4d: {  	[bflag:$0x0] =	sbarrier.arrive $0xFFFF  }
0x4e: {  	[tilespmem:s21], [sflag:$0x1] =	stream.indirect.gather [hbm4b:s14+s22], $0x80, s3, s22, $0xb8;
	[tilespmem:$0x1F780] =	vst v63  }
0x4f: {  	_ =	swait.ge [sflag:s23], $0x2800  }
0x50: {  	[sflag:s23] =	ssyncset.done $0x0  }
0x51: {  	[sflag:s23] =	ssyncadd.s32 $0xFFFFD800  }
0x52: {  	[tilespmem:s24], [sflag:$0x2] =	stream.indirect.gather [hbm4b:s14+s22], $0x80, s22, s22, $0xb8;
	[tilespmem:$0x1F780] =	vst v63  }
0x53: {  	_ = 	snop  }
0x54: {  	[spmem:s2] =	stream.indirect.scatter.add.f32 [tilespmem:s21], [sflag:$0x3], $0x80, s20, s22, $0xb8;
	[tilespmem:$0x1F780] =	vst v63  }
0x55: {  	_ =	swait.ge [sflag:s25], $0x2800  }
0x56: {  	[sflag:s25] =	ssyncset.done $0x0  }
0x57: {  	s26 =	simm.s32 $0x2800;
	[sflag:s25] =	ssyncadd.s32 $0xFFFFD800  }
0x58: {  	[spmem:s2] =	stream.indirect.scatter.add.f32 [tilespmem:s24], [sflag:$0x4], $0x80, s26, s22, $0xb8;
	[tilespmem:$0x1F780] =	vst v63  }
0x59: {  	_ =	swait.ge [sflag:s28], $0x2800  }
0x5a: {  	[sflag:s28] =	ssyncset.done $0x0  }
0x5b: {  	[sflag:s28] =	ssyncadd.s32 $0xFFFFD800  }
0x5c: {  	[tilespmem:s21], [sflag:$0x1] =	stream.indirect.gather [hbm4b:s14+s22], $0x80, s29, s22, $0xb8;
	[tilespmem:$0x1F780] =	vst v63  }
0x5d: {  	_ =	swait.ge [sflag:s23], $0x2800  }
0x5e: {  	[sflag:s23] =	ssyncset.done $0x0  }
0x5f: {  	[sflag:s23] =	ssyncadd.s32 $0xFFFFD800  }
0x60: {  	_ =	swait.ge [sflag:s30], $0x2800  }
0x61: {  	[sflag:s30] =	ssyncset.done $0x0  }
0x62: {  	s17 =	simm.s32 $0xF0;
	[sflag:s30] =	ssyncadd.s32 $0xFFFFD800  }
0x63: {  	[tilespmem:s24], [sflag:$0x2] =	stream.indirect.gather [hbm4b:s14+s22], $0x80, s17, s22, $0xb8;
	[tilespmem:$0x1F780] =	vst v63  }
0x64: {  	s18 =	simm.s32 $0x2880  }
0x65: {  	[spmem:s2] =	stream.indirect.scatter.add.f32 [tilespmem:s21], [sflag:$0x3], $0x80, s18, s22, $0xb8;
	[tilespmem:$0x1F780] =	vst v63  }
0x66: {  	_ =	swait.ge [sflag:s25], $0x2800  }
0x67: {  	[sflag:s25] =	ssyncset.done $0x0  }
0x68: {  	s26 =	simm.s32 $0x2900;
	[sflag:s25] =	ssyncadd.s32 $0xFFFFD800  }
0x69: {  	[spmem:s2] =	stream.indirect.scatter.add.f32 [tilespmem:s24], [sflag:$0x4], $0x80, s26, s22, $0xb8;
	[tilespmem:$0x1F780] =	vst v63  }
0x6a: {  	_ =	swait.ge [sflag:s28], $0x2800  }
0x6b: {  	s0 =	simm.s32 $0xFFFF6A00;
	[sflag:s28] =	ssyncset.done $0x0  }
0x6c: {  	s17 =	simm.s32 $0x2980;
	s18 =	simm.s32 $0x140;
	[sflag:s28] =	ssyncadd.s32 $0xFFFFD800  }
.LBB2_4:
0x6d: {  	[tilespmem:s21], [sflag:$0x1] =	stream.indirect.gather [hbm4b:s14+s22], $0x80, s18, s22, $0xb8;
	[tilespmem:$0x1F780] =	vst v63  }
0x6e: {  	s18 =	smov.u32 s0  }
0x6f: {  	p0 =	sne.s32 s0, $0xFFFFFD80;
	s0 =	sadd.s32 $0x280, s0;
	_ =	swait.ge [sflag:s23], $0x2800  }
0x70: {  	[sflag:s23] =	ssyncset.done $0x0  }
0x71: {  	[sflag:s23] =	ssyncadd.s32 $0xFFFFD800  }
0x72: {  	_ =	swait.ge [sflag:s30], $0x2800  }
0x73: {  	s18 =	sshra.s32 s18, $0x2;
	[sflag:s30] =	ssyncset.done $0x0  }
0x74: {  	s26 =	sadd.s32 $0x2710, s18;
	[sflag:s30] =	ssyncadd.s32 $0xFFFFD800  }
0x75: {  	[tilespmem:s24], [sflag:$0x2] =	stream.indirect.gather [hbm4b:s14+s22], $0x80, s26, s22, $0xb8;
	[tilespmem:$0x1F780] =	vst v63  }
0x76: {  	_ = 	snop  }
0x77: {  	[spmem:s2] =	stream.indirect.scatter.add.f32 [tilespmem:s21], [sflag:$0x3], $0x80, s17, s22, $0xb8;
	[tilespmem:$0x1F780] =	vst v63  }
0x78: {  	_ =	swait.ge [sflag:s25], $0x2800  }
0x79: {  	[sflag:s25] =	ssyncset.done $0x0  }
.Ltmp1:
0x7a: {  	s26 =	sadd.s32 $0x80, s17;
	[sflag:s25] =	ssyncadd.s32 $0xFFFFD800;
	(pc) =	sbr.rel @p0 .LBB2_4-.Ltmp1, $4  }
0x7b: {  	[spmem:s2] =	stream.indirect.scatter.add.f32 [tilespmem:s24], [sflag:$0x4], $0x80, s26, s22, $0xb8;
	[tilespmem:$0x1F780] =	vst v63  }
0x7c: {  	_ =	swait.ge [sflag:s28], $0x2800  }
0x7d: {  	[sflag:s28] =	ssyncset.done $0x0  }
0x7e: {  	s18 =	sadd.s32 $0x2760, s18;
	s17 =	sadd.s32 $0x100, s17;
	[sflag:s28] =	ssyncadd.s32 $0xFFFFD800  }
0x7f: {  	[tilespmem:s21], [sflag:$0x1] =	stream.indirect.gather [hbm4b:s14+s22], $0x80, s18, s22, $0xb8;
	[tilespmem:$0x1F780] =	vst v63  }
0x80: {  	_ =	swait.ge [sflag:s23], $0x2800  }
0x81: {  	[sflag:s23] =	ssyncset.done $0x0  }
0x82: {  	[sflag:s23] =	ssyncadd.s32 $0xFFFFD800  }
0x83: {  	_ =	swait.ge [sflag:s30], $0x2800  }
0x84: {  	[sflag:s30] =	ssyncset.done $0x0  }
0x85: {  	[sflag:s30] =	ssyncadd.s32 $0xFFFFD800  }
0x86: {  	[spmem:s2] =	stream.indirect.scatter.add.f32 [tilespmem:s21], [sflag:$0x3], $0x80, s31, s22, $0xb8;
	[tilespmem:$0x1F780] =	vst v63  }
0x87: {  	s0 =	stileid.u32;
	_ =	swait.ge [sflag:s28], $0x2800  }
0x88: {  	s17 =	sshrl.u32 s5, $0x3;
	s1 =	sadd.s32 $0x1, s1;
	[sflag:s28] =	ssyncset.done $0x0  }
0x89: {  	s0 =	sshll.u32 s0, $0x6;
	p0 =	sne.s32 s1, s16;
	[sflag:s28] =	ssyncadd.s32 $0xFFFFD800  }
.Ltmp2:
0x8a: {  	s0 =	sor.u32 $0x1C05, s0;
	[bflag:$0x0] =	sbarrier.arrive $0xFFFF;
	(pc) =	sbr.rel @p0 .LBB2_1-.Ltmp2, $4  }
0x8b: {  	[hbm:s15], [sflag:s0] =	dma.local [spmem:s17], $0x2800  }
0x8c: {  	_ =	swait.ge [sflag:s19], $0x2800  }
0x8d: {  	[sflag:s19] =	ssyncset.done $0x0  }
0x8e: {  	[sflag:s19] =	ssyncadd.s32 $0xFFFFD800  }
0x8f: {  	_ =	sfence.sel $0x180000  }
0x90: {  	[bflag:$0x0] =	sbarrier.arrive $0xFFFF  }
0x91: {  	_ =	strace $0x9000004A  }
0x92: {  	s0 =	stileid.u32;
	[bflag:$0x2] =	sbarrier.arrive $0xFFFF  }
0x93: {  	p0 =	sne.s32 s0, $0x0;
	s0 =	rddreg [dreg:$0x3]  }
0x94: {  	s0 =	sadd.s32 @!p0 $0x100000, s0  }
0x95: {  	[sflag:s0] =	ssyncadd.tile.s32 @!p0 $0x1;
	_ =	shalt  }
.Lfunc_end2:
_tile_overlayer_lowered:
.L_overlay_start_2:
0x96: {  	(tag) =	ssettag $0x2  }
0x97: {  	s0 =	rddreg [dreg:$0x0];
	s2 =	stileid.u32  }
0x98: {  	s1 =	rddreg [dreg:$0x1];
	p0 =	sne.s32 s2, $0x0  }
0x99: {  	s3 =	rddreg [dreg:$0x2];
	[bflag:$0x3] =	sbarrier.arrive $0xFFFF;
	s2 =	simm.s32 @!p0 $0x1C05  }
0x9a: {  	[timem:s3], [sflag:s2] =	dma.local @!p0 [hbm:s0], s1  }
0x9b: {  	s0 =	simm.s32 @!p0 $0x5  }
0x9c: {  	_ =	swait.ge @!p0 [sflag:s0], s1  }
0x9d: {  	s1 =	ssub.s32 @!p0 $0x0, s1;
	[sflag:s0] =	ssyncset.done @!p0 $0x0  }
0x9e: {  	[sflag:s0] =	ssyncadd.s32 @!p0 s1  }
0x9f: {  	[bflag:$0x3] =	sbarrier.arrive $0xFFFF  }
0xa0: {  	_ =	shalt  }

</sc_bundles>
